<compile_context>
chip_gen: v7x
topology: tpu7x:2x2x1
jax: 0.10.2.dev20260603
libtpu: 0.0.44.dev20260713+nightly
codegen_flags: <defaults>
</compile_context>

<pallas_src>
import jax
import jax.numpy as jnp
from jax import lax
from jax.experimental import pallas as pl
from jax.experimental.pallas import tpu as pltpu
from jax.experimental.pallas import tpu_sc as plsc

H = 256
W = 256
DIM = 32
B = 8
N = 524288

NC = 2
NS = 16
L = 16

CHUNK = 32768
NCHUNK = B * H * W // CHUNK
NPASS = NCHUNK // NC
DUMP = CHUNK
SROWS = CHUNK + 8

SEG = 4096
SEGSH = 12
G = 256
GSH = 8
FSZ = SEG + G + 8
TRASH = SEG + G
SENT = SEG

CPT = CHUNK // NS
OSB = 256
NOSB = CPT // OSB
ZR = 128

RNE = 8388608.0

_SC_PARAMS = pltpu.CompilerParams(
    use_tc_tiling_on_sc=False, needs_layout_passes=False)


K1_ROWS = 512


def _lin_body(off_ref, x_ref, y_ref, lin_ref):
    g = pl.program_id(0)
    xv = x_ref[...]
    yv = y_ref[...]
    xr = (xv * float(W) + RNE) - RNE
    yr = (yv * float(H) + RNE) - RNE
    xi = jnp.minimum(jnp.maximum(xr, 0.0), float(W - 1)).astype(jnp.int32)
    yi = jnp.minimum(jnp.maximum(yr, 0.0), float(H - 1)).astype(jnp.int32)
    r = lax.broadcasted_iota(jnp.int32, xv.shape, 0)
    c = lax.broadcasted_iota(jnp.int32, xv.shape, 1)
    j = (g * K1_ROWS + r) * xv.shape[1] + c
    b = jnp.zeros(xv.shape, jnp.int32)
    for k in range(B - 1):
        b = b + jnp.where(j >= off_ref[k], 1, 0).astype(jnp.int32)
    lin_ref[...] = b * (H * W) + yi * W + xi


def _compute_lin(events, offsets):
    ncols = 512
    nrows = N // ncols
    xs = events[:, 0].reshape(nrows, ncols)
    ys = events[:, 1].reshape(nrows, ncols)
    lin = pl.pallas_call(
        _lin_body,
        out_shape=jax.ShapeDtypeStruct((nrows, ncols), jnp.int32),
        grid=(nrows // K1_ROWS,),
        in_specs=[
            pl.BlockSpec(memory_space=pltpu.SMEM),
            pl.BlockSpec((K1_ROWS, ncols), lambda g: (g, 0)),
            pl.BlockSpec((K1_ROWS, ncols), lambda g: (g, 0)),
        ],
        out_specs=pl.BlockSpec((K1_ROWS, ncols), lambda g: (g, 0)),
    )(offsets, xs, ys)
    return lin.reshape(N)



def _sc_body(lin_hbm, feat_hbm, off_hbm, out_hbm,
             lin_buf, filt_ids, id_buf, cell_buf, feat_buf, ones_buf,
             off_buf, s_buf, c_buf, inv_buf, plane_buf, zsum, zcnt,
             sums_sh, cnts_sh, gsem, psem):
    cid = lax.axis_index("c")
    sid = lax.axis_index("s")
    iota = lax.iota(jnp.int32, L)

    def fill_ones(k, _):
        ones_buf[pl.ds(k * L, L)] = jnp.ones((L,), jnp.float32)
        return 0
    lax.fori_loop(0, G // L, fill_ones, 0)

    def fill_zsum(k, _):
        r = k // (DIM // L)
        col = (k % (DIM // L)) * L
        zsum[r, pl.ds(col, L)] = jnp.zeros((L,), jnp.float32)
        return 0
    lax.fori_loop(0, ZR * (DIM // L), fill_zsum, 0)

    def fill_zcnt(k, _):
        zcnt[pl.ds(k * L, L)] = jnp.zeros((L,), jnp.float32)
        return 0
    lax.fori_loop(0, ZR // L, fill_zcnt, 0)

    lin_buf[pl.ds(SENT, L)] = jnp.full((L,), jnp.int32(0x7FFFFFF), jnp.int32)

    pltpu.sync_copy(off_hbm, off_buf.at[pl.ds(0, B)])

    def zero_sub(q, _):
        cell0 = sid * CPT + q * ZR
        pltpu.sync_copy(zsum, sums_sh.at[pl.ds(cell0, ZR)])
        pltpu.sync_copy(zcnt, cnts_sh.at[pl.ds(cell0, ZR)])
        return 0
    lax.fori_loop(0, CPT // ZR, zero_sub, 0)
    plsc.subcore_barrier()

    def do_pass(p, _):
        chunk_id = cid * NPASS + p
        bi = lax.shift_right_logical(chunk_id, 1)

        bvec = jnp.zeros((L,), jnp.int32) + bi
        end_s = plsc.load_gather(off_buf, [bvec])[0]
        sm = plsc.load_gather(off_buf, [jnp.maximum(bvec - 1, 0)])[0]
        start_s = jnp.where(bi == 0, jnp.int32(0), sm)
        start_s = lax.shift_right_logical(start_s, 3) * 8
        total = end_s - start_s
        span = lax.shift_right_logical(total + (NS * L - 1), 8) * L
        nseg = lax.shift_right_logical(span + (SEG - 1), SEGSH)

        def do_seg(h, _):
            ls = start_s + sid * span + h * SEG
            cb = jnp.minimum(lax.shift_right_logical(ls, 3),
                             jnp.int32((N - SEG) // 8)) * 8
            delta = ls - cb
            lim = span - h * SEG + delta
            pltpu.sync_copy(lin_hbm.at[pl.ds(cb, SEG)],
                            lin_buf.at[pl.ds(0, SEG)])

            def filt(i, c):
                q = i * L + iota
                lin = lin_buf[pl.ds(i * L, L)]
                m = ((lax.shift_right_logical(lin, 15) == chunk_id)
                     & (q >= delta) & (q < lim))
                s = plsc.cumsum(m.astype(jnp.int32))
                pos = jnp.where(m, c + s - 1, TRASH)
                plsc.store_scatter(filt_ids, [pos], q)
                return c + s[L - 1]
            c = lax.fori_loop(0, SEG // L, filt, jnp.int32(0))

            def pad(k, _):
                filt_ids[pl.ds(c + k * L, L)] = jnp.full((L,), SENT, jnp.int32)
                return 0
            lax.fori_loop(0, G // L, pad, 0)

            n_g = lax.shift_right_logical(c + (G - 1), GSH)

            def group(g, _):
                base = g * G

                def cp(k, _):
                    loc = filt_ids[pl.ds(base + k * L, L)]
                    lin = plsc.load_gather(lin_buf, [loc])
                    m = ((lax.shift_right_logical(lin, 15) == chunk_id)
                         & (loc >= delta) & (loc < lim))
                    cell = jnp.where(m, lin & (CHUNK - 1), jnp.int32(DUMP))
                    gid = jnp.minimum(cb + loc, jnp.int32(N - 1))
                    id_buf[pl.ds(k * L, L)] = gid
                    cell_buf[pl.ds(k * L, L)] = cell
                    return 0
                lax.fori_loop(0, G // L, cp, 0)
                pltpu.async_copy(feat_hbm.at[id_buf], feat_buf, gsem).wait()
                pltpu.sync_copy(feat_buf, sums_sh.at[cell_buf], add=True)
                pltpu.sync_copy(ones_buf, cnts_sh.at[cell_buf], add=True)
                return 0
            lax.fori_loop(0, n_g, group, 0)
            return 0
        lax.fori_loop(0, nseg, do_seg, 0)
        plsc.subcore_barrier()

        b_idx = lax.shift_right_logical(chunk_id, 1)
        yh = chunk_id & 1

        def out_sub(sub, _):
            cell0 = sid * CPT + sub * OSB
            pltpu.sync_copy(sums_sh.at[pl.ds(cell0, OSB)], s_buf)
            pltpu.sync_copy(cnts_sh.at[pl.ds(cell0, OSB)], c_buf)

            def inv_k(k, _):
                cv = c_buf[pl.ds(k * L, L)]
                inv_buf[pl.ds(k * L, L)] = 1.0 / jnp.maximum(cv, 1.0)
                return 0
            lax.fori_loop(0, OSB // L, inv_k, 0)

            out0 = (b_idx * DIM * H * W + yh * CHUNK
                    + sid * CPT + sub * OSB)

            def per_d(d, _):
                def tr(k, _):
                    rows = k * L + iota
                    v = plsc.load_gather(s_buf, [rows, jnp.full((L,), d, jnp.int32)])
                    v = v * inv_buf[pl.ds(k * L, L)]
                    plane_buf[d, pl.ds(k * L, L)] = v
                    return 0
                lax.fori_loop(0, OSB // L, tr, 0)
                off = out0 + d * (H * W)
                pltpu.async_copy(plane_buf.at[d], out_hbm.at[pl.ds(off, OSB)], psem)
                return 0
            lax.fori_loop(0, DIM, per_d, 0)

            def drain(d, _):
                off = out0 + d * (H * W)
                pltpu.make_async_copy(plane_buf.at[d], out_hbm.at[pl.ds(off, OSB)], psem).wait()
                return 0
            lax.fori_loop(0, DIM, drain, 0)

            def rezero(q, _):
                pltpu.sync_copy(zsum, sums_sh.at[pl.ds(cell0 + q * ZR, ZR)])
                pltpu.sync_copy(zcnt, cnts_sh.at[pl.ds(cell0 + q * ZR, ZR)])
                return 0
            lax.fori_loop(0, OSB // ZR, rezero, 0)
            return 0
        lax.fori_loop(0, NOSB, out_sub, 0)
        plsc.subcore_barrier()
        return 0
    lax.fori_loop(0, NPASS, do_pass, 0)


def kernel(events, features, offsets):
    lin = _compute_lin(events, offsets)
    mesh = plsc.VectorSubcoreMesh(core_axis_name="c", subcore_axis_name="s",
                                  num_cores=NC, num_subcores=NS)
    run = pl.kernel(
        _sc_body,
        out_type=jax.ShapeDtypeStruct((B * DIM * H * W,), jnp.float32),
        mesh=mesh,
        scratch_types=[
            pltpu.VMEM((SEG + L,), jnp.int32),
            pltpu.VMEM((FSZ,), jnp.int32),
            pltpu.VMEM((G,), jnp.int32),
            pltpu.VMEM((G,), jnp.int32),
            pltpu.VMEM((G, DIM), jnp.float32),
            pltpu.VMEM((G,), jnp.float32),
            pltpu.VMEM((L,), jnp.int32),
            pltpu.VMEM((OSB, DIM), jnp.float32),
            pltpu.VMEM((OSB,), jnp.float32),
            pltpu.VMEM((OSB,), jnp.float32),
            pltpu.VMEM((DIM, OSB), jnp.float32),
            pltpu.VMEM((ZR, DIM), jnp.float32),
            pltpu.VMEM((ZR,), jnp.float32),
            pltpu.VMEM_SHARED((SROWS, DIM), jnp.float32),
            pltpu.VMEM_SHARED((SROWS,), jnp.float32),
            pltpu.SemaphoreType.DMA,
            pltpu.SemaphoreType.DMA,
        ],
        compiler_params=_SC_PARAMS,
    )
    out = run(lin, features, offsets)
    return out.reshape(B, DIM, H, W)

# --- scband reference (transcript-rebuilt; emitter-appended) ---
"""Pipeline reference for scband-sparse-to-dense-85177791414440 (READ-ONLY COPY).

The authoritative reference and input builder live on the scoring server;
editing this copy changes nothing except your own understanding.
"""

import jax, jax.numpy as jnp
import numpy as np

H, W, DIM = 256, 256, 32
B = 8
N = 524288

def setup_inputs(seed: int = 0) -> dict:
    key = jax.random.key(seed)
    k1, k2, k3 = jax.random.split(key, 3)
    events = jax.random.uniform(k1, (N, 2), dtype=jnp.float32)
    features = jax.random.normal(k2, (N, DIM), dtype=jnp.float32)
    cuts = jnp.sort(jax.random.randint(k3, (B - 1,), 0, N))
    offsets = jnp.concatenate([cuts, jnp.array([N])]).astype(jnp.int32)
    return {"events": events, "features": features, "offsets": offsets}


def reference(events, features, offsets):
    # offset2batch: event j belongs to batch b where offsets[b-1] <= j < offsets[b]
    n = events.shape[0]
    batch = jnp.searchsorted(offsets, jnp.arange(n, dtype=offsets.dtype), side='right').astype(jnp.int32)
    # yx = events[:, [1, 0]]; yx[:,0]*h rounded, yx[:,1]*w rounded
    y = jnp.clip(jnp.round(events[:, 1] * H), 0, H - 1).astype(jnp.int32)
    x = jnp.clip(jnp.round(events[:, 0] * W), 0, W - 1).astype(jnp.int32)
    lin = (batch * H + y) * W + x
    num_cells = B * H * W
    # scn.InputLayer(mode=4): average features of duplicate coordinates
    sums = jax.ops.segment_sum(features, lin, num_segments=num_cells)
    counts = jax.ops.segment_sum(jnp.ones((n, 1), dtype=jnp.float32), lin, num_segments=num_cells)
    dense = sums / jnp.maximum(counts, 1.0)
    # scn.SparseToDense(2, dim) -> [B, dim, H, W]
    dense = dense.reshape(B, H, W, DIM).transpose(0, 3, 1, 2)
    return dense

if __name__ == "__main__":
    import jax
    _d = setup_inputs()
    print(jax.jit(kernel)(*tuple(_d.values())))

</pallas_src>

<mosaic_0001>
#map = affine_map<(d0, d1) -> (0)>
#map1 = affine_map<(d0, d1) -> (0, 0)>
module attributes {stable_mosaic.version = 14 : i64} {
  func.func @_sc_body(%arg0: i32, %arg1: i32, %arg2: memref<524288xi32, #tpu.memory_space<hbm>>, %arg3: memref<524288x32xf32, #tpu.memory_space<hbm>>, %arg4: memref<8xi32, #tpu.memory_space<hbm>>, %arg5: memref<16777216xf32, #tpu.memory_space<hbm>>, %arg6: memref<4112xi32, #tpu.memory_space<vmem>>, %arg7: memref<4360xi32, #tpu.memory_space<vmem>>, %arg8: memref<256xi32, #tpu.memory_space<vmem>>, %arg9: memref<256xi32, #tpu.memory_space<vmem>>, %arg10: memref<256x32xf32, #tpu.memory_space<vmem>>, %arg11: memref<256xf32, #tpu.memory_space<vmem>>, %arg12: memref<16xi32, #tpu.memory_space<vmem>>, %arg13: memref<256x32xf32, #tpu.memory_space<vmem>>, %arg14: memref<256xf32, #tpu.memory_space<vmem>>, %arg15: memref<256xf32, #tpu.memory_space<vmem>>, %arg16: memref<32x256xf32, #tpu.memory_space<vmem>>, %arg17: memref<128x32xf32, #tpu.memory_space<vmem>>, %arg18: memref<128xf32, #tpu.memory_space<vmem>>, %arg19: memref<32776x32xf32, #tpu.memory_space<vmem_shared>>, %arg20: memref<32776xf32, #tpu.memory_space<vmem_shared>>, %arg21: memref<!tpu.dma_semaphore, #tpu.memory_space<semaphore_mem>>, %arg22: memref<!tpu.dma_semaphore, #tpu.memory_space<semaphore_mem>>) attributes {dimension_semantics = [#tpu.dimension_semantics<core_parallel>, #tpu.dimension_semantics<subcore_parallel>], iteration_bounds = array<i64: 2, 16>, scalar_prefetch = 0 : i64, scratch_operands = 17 : i64, tpu.core_type = #tpu.core_type<sc_vector_subcore>, window_params = [{transform_indices = #map}, {transform_indices = #map1}, {transform_indices = #map}, {transform_indices = #map}]} {
    %iota3A = tpu.iota {dimensions = array<i32: 0>} : vector<16xi32>
    %scan3A = arith.constant 0 : i32
    %scan3A_0 = arith.constant 0 : i32
    %scan3A_1 = arith.constant 16 : i32
    %scan3A_2 = arith.addi %scan3A_0, %scan3A_1 : i32
    %scan3A_3 = arith.constant 1 : i32
    %scan3A_4 = scf.for %scan3A_36 = %scan3A_0 to %scan3A_2 step %scan3A_3 iter_args(%scan3A_37 = %scan3A) -> (i32)  : i32 {
      %broadcast_in_dim3A_38 = arith.constant 1.000000e+00 : f32
      %broadcast_in_dim3A_39 = vector.broadcast %broadcast_in_dim3A_38 : f32 to vector<16xf32>
      %mul3A = arith.constant 16 : i32
      %mul3A_40 = arith.muli %scan3A_36, %mul3A : i32
      %swap3A_41 = arith.index_cast %mul3A_40 : i32 to index
      %swap3A_42 = tpu.vector_load %arg11[%swap3A_41] {strides = array<i32>} : memref<256xf32, #tpu.memory_space<vmem>>, vector<16xf32>,
      tpu.vector_store %arg11[%swap3A_41], %broadcast_in_dim3A_39 {strides = array<i32>} : memref<256xf32, #tpu.memory_space<vmem>>, vector<16xf32>,
      %scan3A_43 = arith.constant 0 : i32
      scf.yield %scan3A_43 : i32
    }
    %scan3A_5 = arith.constant 16 : i32
    %scan3A_6 = arith.constant 0 : i32
    %scan3A_7 = arith.constant 0 : i32
    %scan3A_8 = arith.constant 256 : i32
    %scan3A_9 = arith.addi %scan3A_7, %scan3A_8 : i32
    %scan3A_10 = arith.constant 1 : i32
    %scan3A_11 = scf.for %scan3A_36 = %scan3A_7 to %scan3A_9 step %scan3A_10 iter_args(%scan3A_37 = %scan3A_6) -> (i32)  : i32 {
      %jit3A = arith.constant 2 : i32
      %div3A = arith.divsi %scan3A_36, %jit3A : i32
      %sign3A = arith.constant 0 : i32
      %sign3A_38 = arith.cmpi sgt, %scan3A_36, %sign3A : i32
      %sign3A_39 = arith.extui %sign3A_38 : i1 to i32
      %sign3A_40 = arith.constant 0 : i32
      %sign3A_41 = arith.cmpi slt, %scan3A_36, %sign3A_40 : i32
      %sign3A_42 = arith.extui %sign3A_41 : i1 to i32
      %sign3A_43 = arith.subi %sign3A_39, %sign3A_42 : i32
      %sign3A_44 = arith.constant 0 : i32
      %sign3A_45 = arith.cmpi sgt, %jit3A, %sign3A_44 : i32
      %sign3A_46 = arith.extui %sign3A_45 : i1 to i32
      %sign3A_47 = arith.constant 0 : i32
      %sign3A_48 = arith.cmpi slt, %jit3A, %sign3A_47 : i32
      %sign3A_49 = arith.extui %sign3A_48 : i1 to i32
      %sign3A_50 = arith.subi %sign3A_46, %sign3A_49 : i32
      %ne3A = arith.cmpi ne, %sign3A_43, %sign3A_50 : i32
      %rem3A = arith.remsi %scan3A_36, %jit3A : i32
      %ne3A_51 = arith.constant 0 : i32
      %ne3A_52 = arith.cmpi ne, %rem3A, %ne3A_51 : i32
      %and3A = arith.andi %ne3A, %ne3A_52 : i1
      %sub3A = arith.constant 1 : i32
      %sub3A_53 = arith.subi %div3A, %sub3A : i32
      %select_n3A = arith.select %and3A, %sub3A_53, %div3A : i32
      %jit3A_54 = arith.constant 2 : i32
      %eq3A = arith.constant 0 : i32
      %eq3A_55 = arith.cmpi eq, %jit3A_54, %eq3A : i32
      %jit3A_56 = arith.constant 1 : i32
      %select_n3A_57 = arith.select %eq3A_55, %jit3A_56, %jit3A_54 : i32
      %rem3A_58 = arith.remsi %scan3A_36, %select_n3A_57 : i32
      %ne3A_59 = arith.constant 0 : i32
      %ne3A_60 = arith.cmpi ne, %rem3A_58, %ne3A_59 : i32
      %lt3A = arith.constant 0 : i32
      %lt3A_61 = arith.cmpi slt, %rem3A_58, %lt3A : i32
      %lt3A_62 = arith.constant 0 : i32
      %lt3A_63 = arith.cmpi slt, %select_n3A_57, %lt3A_62 : i32
      %ne3A_64 = arith.xori %lt3A_61, %lt3A_63 : i1
      %and3A_65 = arith.andi %ne3A_64, %ne3A_60 : i1
      %add3A = arith.addi %rem3A_58, %select_n3A_57 : i32
      %select_n3A_66 = arith.select %and3A_65, %add3A, %rem3A_58 : i32
      %mul3A = arith.constant 16 : i32
      %mul3A_67 = arith.muli %select_n3A_66, %mul3A : i32
      %broadcast_in_dim3A_68 = arith.constant 0.000000e+00 : f32
      %broadcast_in_dim3A_69 = vector.broadcast %broadcast_in_dim3A_68 : f32 to vector<16xf32>
      %swap3A_70 = arith.index_cast %select_n3A : i32 to index
      %swap3A_71 = arith.index_cast %mul3A_67 : i32 to index
      %swap3A_72 = tpu.vector_load %arg17[%swap3A_70, %swap3A_71] {strides = array<i32>} : memref<128x32xf32, #tpu.memory_space<vmem>>, vector<16xf32>,
      tpu.vector_store %arg17[%swap3A_70, %swap3A_71], %broadcast_in_dim3A_69 {strides = array<i32>} : memref<128x32xf32, #tpu.memory_space<vmem>>, vector<16xf32>,
      %scan3A_73 = arith.constant 0 : i32
      scf.yield %scan3A_73 : i32
    }
    %scan3A_12 = arith.constant 256 : i32
    %scan3A_13 = arith.constant 0 : i32
    %scan3A_14 = arith.constant 0 : i32
    %scan3A_15 = arith.constant 8 : i32
    %scan3A_16 = arith.addi %scan3A_14, %scan3A_15 : i32
    %scan3A_17 = arith.constant 1 : i32
    %scan3A_18 = scf.for %scan3A_36 = %scan3A_14 to %scan3A_16 step %scan3A_17 iter_args(%scan3A_37 = %scan3A_13) -> (i32)  : i32 {
      %broadcast_in_dim3A_38 = arith.constant 0.000000e+00 : f32
      %broadcast_in_dim3A_39 = vector.broadcast %broadcast_in_dim3A_38 : f32 to vector<16xf32>
      %mul3A = arith.constant 16 : i32
      %mul3A_40 = arith.muli %scan3A_36, %mul3A : i32
      %swap3A_41 = arith.index_cast %mul3A_40 : i32 to index
      %swap3A_42 = tpu.vector_load %arg18[%swap3A_41] {strides = array<i32>} : memref<128xf32, #tpu.memory_space<vmem>>, vector<16xf32>,
      tpu.vector_store %arg18[%swap3A_41], %broadcast_in_dim3A_39 {strides = array<i32>} : memref<128xf32, #tpu.memory_space<vmem>>, vector<16xf32>,
      %scan3A_43 = arith.constant 0 : i32
      scf.yield %scan3A_43 : i32
    }
    %scan3A_19 = arith.constant 8 : i32
    %broadcast_in_dim3A = arith.constant 134217727 : i32
    %broadcast_in_dim3A_20 = vector.broadcast %broadcast_in_dim3A : i32 to vector<16xi32>
    %swap3A = arith.constant 4096 : index
    %swap3A_21 = tpu.vector_load %arg6[%swap3A] {strides = array<i32>} : memref<4112xi32, #tpu.memory_space<vmem>>, vector<16xi32>,
    tpu.vector_store %arg6[%swap3A], %broadcast_in_dim3A_20 {strides = array<i32>} : memref<4112xi32, #tpu.memory_space<vmem>>, vector<16xi32>,
    "tpu.region"() ({
      %run_scoped3A = tpu.sem_alloc : memref<!tpu.dma_semaphore, #tpu.memory_space<semaphore_mem>>
      %dma_start3A = arith.constant 0 : i32
      %dma_start3A_36 = tpu.memref_slice %arg12[%dma_start3A] : memref<16xi32, #tpu.memory_space<vmem>> -> memref<8xi32, #tpu.memory_space<vmem>>
      %dma_start3A_37 = arith.constant 0 : i32
      %dma_start3A_38 = tpu.memref_slice %arg12[%dma_start3A_37] : memref<16xi32, #tpu.memory_space<vmem>> -> memref<8xi32, #tpu.memory_space<vmem>>
      tpu.enqueue_dma source(%arg4 : memref<8xi32, #tpu.memory_space<hbm>>) target(%dma_start3A_38 : memref<8xi32, #tpu.memory_space<vmem>>) target_semaphore(%run_scoped3A : memref<!tpu.dma_semaphore, #tpu.memory_space<semaphore_mem>>)
      %dma_wait3A = arith.constant 0 : i32
      %dma_wait3A_39 = tpu.memref_slice %arg12[%dma_wait3A] : memref<16xi32, #tpu.memory_space<vmem>> -> memref<8xi32, #tpu.memory_space<vmem>>
      %dma_wait3A_40 = arith.constant 0 : i32
      %dma_wait3A_41 = tpu.memref_slice %arg12[%dma_wait3A_40] : memref<16xi32, #tpu.memory_space<vmem>> -> memref<8xi32, #tpu.memory_space<vmem>>
      tpu.wait_dma2 semaphore(%run_scoped3A : memref<!tpu.dma_semaphore, #tpu.memory_space<semaphore_mem>>) src(%arg4 : memref<8xi32, #tpu.memory_space<hbm>>) dst(%dma_wait3A_41 : memref<8xi32, #tpu.memory_space<vmem>>)
      tpu.yield
    }) : () -> ()
    %scan3A_22 = arith.constant 0 : i32
    %scan3A_23 = arith.constant 0 : i32
    %scan3A_24 = arith.constant 16 : i32
    %scan3A_25 = arith.addi %scan3A_23, %scan3A_24 : i32
    %scan3A_26 = arith.constant 1 : i32
    %scan3A_27 = scf.for %scan3A_36 = %scan3A_23 to %scan3A_25 step %scan3A_26 iter_args(%scan3A_37 = %scan3A_22) -> (i32)  : i32 {
      %mul3A = arith.constant 2048 : i32
      %mul3A_38 = arith.muli %arg1, %mul3A : i32
      %mul3A_39 = arith.constant 128 : i32
      %mul3A_40 = arith.muli %scan3A_36, %mul3A_39 : i32
      %add3A = arith.addi %mul3A_38, %mul3A_40 : i32
      "tpu.region"() ({
        %run_scoped3A = tpu.sem_alloc : memref<!tpu.dma_semaphore, #tpu.memory_space<semaphore_mem>>
        %dma_start3A = arith.constant 0 : i32
        %dma_start3A_42 = tpu.memref_slice %arg19[%add3A, %dma_start3A] : memref<32776x32xf32, #tpu.memory_space<vmem_shared>> -> memref<128x32xf32, #tpu.memory_space<vmem_shared>>
        %dma_start3A_43 = arith.constant 0 : i32
        %dma_start3A_44 = tpu.memref_slice %arg19[%add3A, %dma_start3A_43] : memref<32776x32xf32, #tpu.memory_space<vmem_shared>> -> memref<128x32xf32, #tpu.memory_space<vmem_shared>>
        tpu.enqueue_dma source(%arg17 : memref<128x32xf32, #tpu.memory_space<vmem>>) target(%dma_start3A_44 : memref<128x32xf32, #tpu.memory_space<vmem_shared>>) target_semaphore(%run_scoped3A : memref<!tpu.dma_semaphore, #tpu.memory_space<semaphore_mem>>)
        %dma_wait3A = arith.constant 0 : i32
        %dma_wait3A_45 = tpu.memref_slice %arg19[%add3A, %dma_wait3A] : memref<32776x32xf32, #tpu.memory_space<vmem_shared>> -> memref<128x32xf32, #tpu.memory_space<vmem_shared>>
        %dma_wait3A_46 = arith.constant 0 : i32
        %dma_wait3A_47 = tpu.memref_slice %arg19[%add3A, %dma_wait3A_46] : memref<32776x32xf32, #tpu.memory_space<vmem_shared>> -> memref<128x32xf32, #tpu.memory_space<vmem_shared>>
        tpu.wait_dma2 semaphore(%run_scoped3A : memref<!tpu.dma_semaphore, #tpu.memory_space<semaphore_mem>>) src(%arg17 : memref<128x32xf32, #tpu.memory_space<vmem>>) dst(%dma_wait3A_47 : memref<128x32xf32, #tpu.memory_space<vmem_shared>>)
        tpu.yield
      }) : () -> ()
      "tpu.region"() ({
        %run_scoped3A = tpu.sem_alloc : memref<!tpu.dma_semaphore, #tpu.memory_space<semaphore_mem>>
        %dma_start3A = tpu.memref_slice %arg20[%add3A] : memref<32776xf32, #tpu.memory_space<vmem_shared>> -> memref<128xf32, #tpu.memory_space<vmem_shared>>
        %dma_start3A_42 = tpu.memref_slice %arg20[%add3A] : memref<32776xf32, #tpu.memory_space<vmem_shared>> -> memref<128xf32, #tpu.memory_space<vmem_shared>>
        tpu.enqueue_dma source(%arg18 : memref<128xf32, #tpu.memory_space<vmem>>) target(%dma_start3A_42 : memref<128xf32, #tpu.memory_space<vmem_shared>>) target_semaphore(%run_scoped3A : memref<!tpu.dma_semaphore, #tpu.memory_space<semaphore_mem>>)
        %dma_wait3A = tpu.memref_slice %arg20[%add3A] : memref<32776xf32, #tpu.memory_space<vmem_shared>> -> memref<128xf32, #tpu.memory_space<vmem_shared>>
        %dma_wait3A_43 = tpu.memref_slice %arg20[%add3A] : memref<32776xf32, #tpu.memory_space<vmem_shared>> -> memref<128xf32, #tpu.memory_space<vmem_shared>>
        tpu.wait_dma2 semaphore(%run_scoped3A : memref<!tpu.dma_semaphore, #tpu.memory_space<semaphore_mem>>) src(%arg18 : memref<128xf32, #tpu.memory_space<vmem>>) dst(%dma_wait3A_43 : memref<128xf32, #tpu.memory_space<vmem_shared>>)
        tpu.yield
      }) : () -> ()
      %scan3A_41 = arith.constant 0 : i32
      scf.yield %scan3A_41 : i32
    }
    %scan3A_28 = arith.constant 16 : i32
    %barrier3A = arith.constant 0 : index
    tpu.barrier barrier_id(%barrier3A)
    %scan3A_29 = arith.constant 0 : i32
    %scan3A_30 = arith.constant 0 : i32
    %scan3A_31 = arith.constant 8 : i32
    %scan3A_32 = arith.addi %scan3A_30, %scan3A_31 : i32
    %scan3A_33 = arith.constant 1 : i32
    %scan3A_34 = scf.for %scan3A_36 = %scan3A_30 to %scan3A_32 step %scan3A_33 iter_args(%scan3A_37 = %scan3A_29) -> (i32)  : i32 {
      %mul3A = arith.constant 8 : i32
      %mul3A_38 = arith.muli %arg0, %mul3A : i32
      %add3A = arith.addi %mul3A_38, %scan3A_36 : i32
      %shift_right_logical3A = arith.constant 1 : i32
      %shift_right_logical3A_39 = arith.shrui %add3A, %shift_right_logical3A : i32
      %broadcast_in_dim3A_40 = arith.constant 0 : i32
      %broadcast_in_dim3A_41 = vector.broadcast %broadcast_in_dim3A_40 : i32 to vector<16xi32>
      %add3A_42 = vector.broadcast %shift_right_logical3A_39 : i32 to vector<16xi32>
      %add3A_43 = arith.addi %broadcast_in_dim3A_41, %add3A_42 : vector<16xi32>
      %gather3A = tpu.vector_load_idx %arg12[%add3A_43] : memref<16xi32, #tpu.memory_space<vmem>>[vector<16xi32>], vector<16xi32>,
      %slice3A = vector.extract_strided_slice %gather3A {offsets = [0], sizes = [1], strides = [1]} : vector<16xi32> to vector<1xi32>
      %squeeze3A = vector.extract %slice3A[0] : i32 from vector<1xi32>
      %sub3A = arith.constant 1 : i32
      %sub3A_44 = vector.broadcast %sub3A : i32 to vector<16xi32>
      %sub3A_45 = arith.subi %add3A_43, %sub3A_44 : vector<16xi32>
      %max3A = arith.constant 0 : i32
      %max3A_46 = vector.broadcast %max3A : i32 to vector<16xi32>
      %max3A_47 = arith.maxsi %sub3A_45, %max3A_46 : vector<16xi32>
      %gather3A_48 = tpu.vector_load_idx %arg12[%max3A_47] : memref<16xi32, #tpu.memory_space<vmem>>[vector<16xi32>], vector<16xi32>,
      %slice3A_49 = vector.extract_strided_slice %gather3A_48 {offsets = [0], sizes = [1], strides = [1]} : vector<16xi32> to vector<1xi32>
      %squeeze3A_50 = vector.extract %slice3A_49[0] : i32 from vector<1xi32>
      %eq3A = arith.constant 0 : i32
      %eq3A_51 = arith.cmpi eq, %shift_right_logical3A_39, %eq3A : i32
      %jit3A = arith.constant 0 : i32
      %select_n3A = arith.select %eq3A_51, %jit3A, %squeeze3A_50 : i32
      %shift_right_logical3A_52 = arith.constant 3 : i32
      %shift_right_logical3A_53 = arith.shrui %select_n3A, %shift_right_logical3A_52 : i32
      %mul3A_54 = arith.constant 8 : i32
      %mul3A_55 = arith.muli %shift_right_logical3A_53, %mul3A_54 : i32
      %sub3A_56 = arith.subi %squeeze3A, %mul3A_55 : i32
      %add3A_57 = arith.constant 255 : i32
      %add3A_58 = arith.addi %sub3A_56, %add3A_57 : i32
      %shift_right_logical3A_59 = arith.constant 8 : i32
      %shift_right_logical3A_60 = arith.shrui %add3A_58, %shift_right_logical3A_59 : i32
      %mul3A_61 = arith.constant 16 : i32
      %mul3A_62 = arith.muli %shift_right_logical3A_60, %mul3A_61 : i32
      %add3A_63 = arith.constant 4095 : i32
      %add3A_64 = arith.addi %mul3A_62, %add3A_63 : i32
      %shift_right_logical3A_65 = arith.constant 12 : i32
      %shift_right_logical3A_66 = arith.shrui %add3A_64, %shift_right_logical3A_65 : i32
      %while3A = arith.constant 0 : i32
      %while3A_67 = arith.constant 0 : i32
      %while3A_68 = arith.subi %shift_right_logical3A_66, %while3A : i32
      %while3A_69 = arith.addi %while3A, %while3A_68 : i32
      %while3A_70 = arith.constant 1 : i32
      %while3A_71 = arith.divsi %while3A_68, %while3A_70 : i32
      %while3A_72 = arith.muli %while3A_71, %while3A_70 : i32
      %while3A_73 = arith.addi %while3A, %while3A_72 : i32
      %while3A_74 = arith.constant 1 : i32
      %while3A_75 = scf.for %while3A_91 = %while3A to %while3A_73 step %while3A_74 iter_args(%while3A_92 = %while3A_67) -> (i32)  : i32 {
        %mul3A_93 = arith.muli %arg1, %mul3A_62 : i32
        %add3A_94 = arith.addi %mul3A_55, %mul3A_93 : i32
        %mul3A_95 = arith.constant 4096 : i32
        %mul3A_96 = arith.muli %while3A_91, %mul3A_95 : i32
        %add3A_97 = arith.addi %add3A_94, %mul3A_96 : i32
        %shift_right_logical3A_98 = arith.constant 3 : i32
        %shift_right_logical3A_99 = arith.shrui %add3A_97, %shift_right_logical3A_98 : i32
        %min3A = arith.constant 65024 : i32
        %min3A_100 = arith.minsi %shift_right_logical3A_99, %min3A : i32
        %mul3A_101 = arith.constant 8 : i32
        %mul3A_102 = arith.muli %min3A_100, %mul3A_101 : i32
        %sub3A_103 = arith.subi %add3A_97, %mul3A_102 : i32
        %mul3A_104 = arith.constant 4096 : i32
        %mul3A_105 = arith.muli %while3A_91, %mul3A_104 : i32
        %sub3A_106 = arith.subi %mul3A_62, %mul3A_105 : i32
        %add3A_107 = arith.addi %sub3A_106, %sub3A_103 : i32
        "tpu.region"() ({
          %run_scoped3A = tpu.sem_alloc : memref<!tpu.dma_semaphore, #tpu.memory_space<semaphore_mem>>
          %dma_start3A = arith.constant 0 : i32
          %dma_start3A_139 = tpu.memref_slice %arg6[%dma_start3A] : memref<4112xi32, #tpu.memory_space<vmem>> -> memref<4096xi32, #tpu.memory_space<vmem>>
          %dma_start3A_140 = tpu.memref_slice %arg2[%mul3A_102] : memref<524288xi32, #tpu.memory_space<hbm>> -> memref<4096xi32, #tpu.memory_space<hbm>>
          %dma_start3A_141 = arith.constant 0 : i32
          %dma_start3A_142 = tpu.memref_slice %arg6[%dma_start3A_141] : memref<4112xi32, #tpu.memory_space<vmem>> -> memref<4096xi32, #tpu.memory_space<vmem>>
          %dma_start3A_143 = tpu.memref_slice %arg2[%mul3A_102] : memref<524288xi32, #tpu.memory_space<hbm>> -> memref<4096xi32, #tpu.memory_space<hbm>>
          tpu.enqueue_dma source(%dma_start3A_143 : memref<4096xi32, #tpu.memory_space<hbm>>) target(%dma_start3A_142 : memref<4096xi32, #tpu.memory_space<vmem>>) target_semaphore(%run_scoped3A : memref<!tpu.dma_semaphore, #tpu.memory_space<semaphore_mem>>)
          %dma_wait3A = arith.constant 0 : i32
          %dma_wait3A_144 = tpu.memref_slice %arg6[%dma_wait3A] : memref<4112xi32, #tpu.memory_space<vmem>> -> memref<4096xi32, #tpu.memory_space<vmem>>
          %dma_wait3A_145 = tpu.memref_slice %arg2[%mul3A_102] : memref<524288xi32, #tpu.memory_space<hbm>> -> memref<4096xi32, #tpu.memory_space<hbm>>
          %dma_wait3A_146 = arith.constant 0 : i32
          %dma_wait3A_147 = tpu.memref_slice %arg6[%dma_wait3A_146] : memref<4112xi32, #tpu.memory_space<vmem>> -> memref<4096xi32, #tpu.memory_space<vmem>>
          %dma_wait3A_148 = tpu.memref_slice %arg2[%mul3A_102] : memref<524288xi32, #tpu.memory_space<hbm>> -> memref<4096xi32, #tpu.memory_space<hbm>>
          tpu.wait_dma2 semaphore(%run_scoped3A : memref<!tpu.dma_semaphore, #tpu.memory_space<semaphore_mem>>) src(%dma_wait3A_148 : memref<4096xi32, #tpu.memory_space<hbm>>) dst(%dma_wait3A_147 : memref<4096xi32, #tpu.memory_space<vmem>>)
          tpu.yield
        }) : () -> ()
        %scan3A_108 = arith.constant 0 : i32
        %scan3A_109 = arith.constant 0 : i32
        %scan3A_110 = arith.constant 256 : i32
        %scan3A_111 = arith.addi %scan3A_109, %scan3A_110 : i32
        %scan3A_112 = arith.constant 1 : i32
        %scan3A_113 = scf.for %scan3A_139 = %scan3A_109 to %scan3A_111 step %scan3A_112 iter_args(%scan3A_140 = %scan3A_108) -> (i32)  : i32 {
          %mul3A_141 = arith.constant 16 : i32
          %mul3A_142 = arith.muli %scan3A_139, %mul3A_141 : i32
          %add3A_143 = vector.broadcast %mul3A_142 : i32 to vector<16xi32>
          %add3A_144 = arith.addi %add3A_143, %iota3A : vector<16xi32>
          %mul3A_145 = arith.constant 16 : i32
          %mul3A_146 = arith.muli %scan3A_139, %mul3A_145 : i32
          %get3A = arith.index_cast %mul3A_146 : i32 to index
          %get3A_147 = tpu.vector_load %arg6[%get3A] {strides = array<i32>} : memref<4112xi32, #tpu.memory_space<vmem>>, vector<16xi32>,
          %shift_right_logical3A_148 = arith.constant 15 : i32
          %shift_right_logical3A_149 = vector.broadcast %shift_right_logical3A_148 : i32 to vector<16xi32>
          %shift_right_logical3A_150 = arith.shrui %get3A_147, %shift_right_logical3A_149 : vector<16xi32>
          %eq3A_151 = vector.broadcast %add3A : i32 to vector<16xi32>
          %eq3A_152 = arith.cmpi eq, %shift_right_logical3A_150, %eq3A_151 : vector<16xi32>
          %ge3A = vector.broadcast %sub3A_103 : i32 to vector<16xi32>
          %ge3A_153 = arith.cmpi sge, %add3A_144, %ge3A : vector<16xi32>
          %and3A_154 = arith.andi %eq3A_152, %ge3A_153 : vector<16xi1>
          %lt3A = vector.broadcast %add3A_107 : i32 to vector<16xi32>
          %lt3A_155 = arith.cmpi slt, %add3A_144, %lt3A : vector<16xi32>
          %and3A_156 = arith.andi %and3A_154, %lt3A_155 : vector<16xi1>
          %convert_element_type3A = arith.extui %and3A_156 : vector<16xi1> to vector<16xi32>
          %broadcast_in_dim3A_157 = arith.constant true
          %broadcast_in_dim3A_158 = vector.broadcast %broadcast_in_dim3A_157 : i1 to vector<16xi1>
          %masked_cumsum3A = tpu.scan <sum>, %convert_element_type3A masked %broadcast_in_dim3A_158 : vector<16xi32>, vector<16xi1> -> vector<16xi32>
          %add3A_159 = vector.broadcast %scan3A_140 : i32 to vector<16xi32>
          %add3A_160 = arith.addi %add3A_159, %masked_cumsum3A : vector<16xi32>
          %sub3A_161 = arith.constant 1 : i32
          %sub3A_162 = vector.broadcast %sub3A_161 : i32 to vector<16xi32>
          %sub3A_163 = arith.subi %add3A_160, %sub3A_162 : vector<16xi32>
          %jit3A_164 = arith.constant 4352 : i32
          %broadcast_in_dim3A_165 = vector.broadcast %jit3A_164 : i32 to vector<16xi32>
          %select_n3A_166 = arith.select %and3A_156, %sub3A_163, %broadcast_in_dim3A_165 : vector<16xi1>, vector<16xi32>
          tpu.vector_store_idx %arg7[%select_n3A_166], %add3A_144 : memref<4360xi32, #tpu.memory_space<vmem>>[vector<16xi32>], vector<16xi32>,
          %slice3A_167 = vector.extract_strided_slice %masked_cumsum3A {offsets = [15], sizes = [1], strides = [1]} : vector<16xi32> to vector<1xi32>
          %squeeze3A_168 = vector.extract %slice3A_167[0] : i32 from vector<1xi32>
          %add3A_169 = arith.addi %scan3A_140, %squeeze3A_168 : i32
          scf.yield %add3A_169 : i32
        }
        %scan3A_114 = arith.constant 256 : i32
        %scan3A_115 = arith.constant 0 : i32
        %scan3A_116 = arith.constant 0 : i32
        %scan3A_117 = arith.constant 16 : i32
        %scan3A_118 = arith.addi %scan3A_116, %scan3A_117 : i32
        %scan3A_119 = arith.constant 1 : i32
        %scan3A_120 = scf.for %scan3A_139 = %scan3A_116 to %scan3A_118 step %scan3A_119 iter_args(%scan3A_140 = %scan3A_115) -> (i32)  : i32 {
          %broadcast_in_dim3A_141 = arith.constant 4096 : i32
          %broadcast_in_dim3A_142 = vector.broadcast %broadcast_in_dim3A_141 : i32 to vector<16xi32>
          %mul3A_143 = arith.constant 16 : i32
          %mul3A_144 = arith.muli %scan3A_139, %mul3A_143 : i32
          %add3A_145 = arith.addi %scan3A_113, %mul3A_144 : i32
          %swap3A_146 = arith.index_cast %add3A_145 : i32 to index
          %swap3A_147 = tpu.vector_load %arg7[%swap3A_146] {strides = array<i32>} : memref<4360xi32, #tpu.memory_space<vmem>>, vector<16xi32>,
          tpu.vector_store %arg7[%swap3A_146], %broadcast_in_dim3A_142 {strides = array<i32>} : memref<4360xi32, #tpu.memory_space<vmem>>, vector<16xi32>,
          %scan3A_148 = arith.constant 0 : i32
          scf.yield %scan3A_148 : i32
        }
        %scan3A_121 = arith.constant 16 : i32
        %add3A_122 = arith.constant 255 : i32
        %add3A_123 = arith.addi %scan3A_113, %add3A_122 : i32
        %shift_right_logical3A_124 = arith.constant 8 : i32
        %shift_right_logical3A_125 = arith.shrui %add3A_123, %shift_right_logical3A_124 : i32
        %while3A_126 = arith.constant 0 : i32
        %while3A_127 = arith.constant 0 : i32
        %while3A_128 = arith.subi %shift_right_logical3A_125, %while3A_126 : i32
        %while3A_129 = arith.addi %while3A_126, %while3A_128 : i32
        %while3A_130 = arith.constant 1 : i32
        %while3A_131 = arith.divsi %while3A_128, %while3A_130 : i32
        %while3A_132 = arith.muli %while3A_131, %while3A_130 : i32
        %while3A_133 = arith.addi %while3A_126, %while3A_132 : i32
        %while3A_134 = arith.constant 1 : i32
        %while3A_135 = scf.for %while3A_139 = %while3A_126 to %while3A_133 step %while3A_134 iter_args(%while3A_140 = %while3A_127) -> (i32)  : i32 {
          %mul3A_141 = arith.constant 256 : i32
          %mul3A_142 = arith.muli %while3A_139, %mul3A_141 : i32
          %scan3A_143 = arith.constant 0 : i32
          %scan3A_144 = arith.constant 0 : i32
          %scan3A_145 = arith.constant 16 : i32
          %scan3A_146 = arith.addi %scan3A_144, %scan3A_145 : i32
          %scan3A_147 = arith.constant 1 : i32
          %scan3A_148 = scf.for %scan3A_155 = %scan3A_144 to %scan3A_146 step %scan3A_147 iter_args(%scan3A_156 = %scan3A_143) -> (i32)  : i32 {
            %mul3A_157 = arith.constant 16 : i32
            %mul3A_158 = arith.muli %scan3A_155, %mul3A_157 : i32
            %add3A_159 = arith.addi %mul3A_142, %mul3A_158 : i32
            %get3A = arith.index_cast %add3A_159 : i32 to index
            %get3A_160 = tpu.vector_load %arg7[%get3A] {strides = array<i32>} : memref<4360xi32, #tpu.memory_space<vmem>>, vector<16xi32>,
            %gather3A_161 = tpu.vector_load_idx %arg6[%get3A_160] : memref<4112xi32, #tpu.memory_space<vmem>>[vector<16xi32>], vector<16xi32>,
            %shift_right_logical3A_162 = arith.constant 15 : i32
            %shift_right_logical3A_163 = vector.broadcast %shift_right_logical3A_162 : i32 to vector<16xi32>
            %shift_right_logical3A_164 = arith.shrui %gather3A_161, %shift_right_logical3A_163 : vector<16xi32>
            %eq3A_165 = vector.broadcast %add3A : i32 to vector<16xi32>
            %eq3A_166 = arith.cmpi eq, %shift_right_logical3A_164, %eq3A_165 : vector<16xi32>
            %ge3A = vector.broadcast %sub3A_103 : i32 to vector<16xi32>
            %ge3A_167 = arith.cmpi sge, %get3A_160, %ge3A : vector<16xi32>
            %and3A_168 = arith.andi %eq3A_166, %ge3A_167 : vector<16xi1>
            %lt3A = vector.broadcast %add3A_107 : i32 to vector<16xi32>
            %lt3A_169 = arith.cmpi slt, %get3A_160, %lt3A : vector<16xi32>
            %and3A_170 = arith.andi %and3A_168, %lt3A_169 : vector<16xi1>
            %and3A_171 = arith.constant 32767 : i32
            %and3A_172 = vector.broadcast %and3A_171 : i32 to vector<16xi32>
            %and3A_173 = arith.andi %gather3A_161, %and3A_172 : vector<16xi32>
            %jit3A_174 = arith.constant 32768 : i32
            %broadcast_in_dim3A_175 = vector.broadcast %jit3A_174 : i32 to vector<16xi32>
            %select_n3A_176 = arith.select %and3A_170, %and3A_173, %broadcast_in_dim3A_175 : vector<16xi1>, vector<16xi32>
            %add3A_177 = vector.broadcast %mul3A_102 : i32 to vector<16xi32>
            %add3A_178 = arith.addi %add3A_177, %get3A_160 : vector<16xi32>
            %min3A_179 = arith.constant 524287 : i32
            %min3A_180 = vector.broadcast %min3A_179 : i32 to vector<16xi32>
            %min3A_181 = arith.minsi %add3A_178, %min3A_180 : vector<16xi32>
            %mul3A_182 = arith.constant 16 : i32
            %mul3A_183 = arith.muli %scan3A_155, %mul3A_182 : i32
            %swap3A_184 = arith.index_cast %mul3A_183 : i32 to index
            %swap3A_185 = tpu.vector_load %arg8[%swap3A_184] {strides = array<i32>} : memref<256xi32, #tpu.memory_space<vmem>>, vector<16xi32>,
            tpu.vector_store %arg8[%swap3A_184], %min3A_181 {strides = array<i32>} : memref<256xi32, #tpu.memory_space<vmem>>, vector<16xi32>,
            %mul3A_186 = arith.constant 16 : i32
            %mul3A_187 = arith.muli %scan3A_155, %mul3A_186 : i32
            %swap3A_188 = arith.index_cast %mul3A_187 : i32 to index
            %swap3A_189 = tpu.vector_load %arg9[%swap3A_188] {strides = array<i32>} : memref<256xi32, #tpu.memory_space<vmem>>, vector<16xi32>,
            tpu.vector_store %arg9[%swap3A_188], %select_n3A_176 {strides = array<i32>} : memref<256xi32, #tpu.memory_space<vmem>>, vector<16xi32>,
            %scan3A_190 = arith.constant 0 : i32
            scf.yield %scan3A_190 : i32
          }
          %scan3A_149 = arith.constant 16 : i32
          %dma_start3A = arith.constant 0 : i32
          %dma_start3A_150 = arith.constant 0 : i32
          %dma_start3A_151 = tpu.memref_slice %arg3[%dma_start3A, %dma_start3A_150] : memref<524288x32xf32, #tpu.memory_space<hbm>> -> memref<524288x32xf32, #tpu.memory_space<hbm>>
          tpu.enqueue_indirect_dma source(%dma_start3A_151 : memref<524288x32xf32, #tpu.memory_space<hbm>>) target(%arg10 : memref<256x32xf32, #tpu.memory_space<vmem>>) offsets(%arg8 : memref<256xi32, #tpu.memory_space<vmem>>) semaphore(%arg21 : memref<!tpu.dma_semaphore, #tpu.memory_space<semaphore_mem>>)
          %dma_wait3A = arith.constant 0 : i32
          %dma_wait3A_152 = arith.constant 0 : i32
          %dma_wait3A_153 = tpu.memref_slice %arg3[%dma_wait3A, %dma_wait3A_152] : memref<524288x32xf32, #tpu.memory_space<hbm>> -> memref<524288x32xf32, #tpu.memory_space<hbm>>
          tpu.wait_indirect_dma semaphore(%arg21 : memref<!tpu.dma_semaphore, #tpu.memory_space<semaphore_mem>>) src(%dma_wait3A_153 : memref<524288x32xf32, #tpu.memory_space<hbm>>) dst(%arg10 : memref<256x32xf32, #tpu.memory_space<vmem>>)
          "tpu.region"() ({
            %run_scoped3A = tpu.sem_alloc : memref<!tpu.dma_semaphore, #tpu.memory_space<semaphore_mem>>
            %dma_start3A_155 = arith.constant 0 : i32
            %dma_start3A_156 = arith.constant 0 : i32
            %dma_start3A_157 = tpu.memref_slice %arg19[%dma_start3A_155, %dma_start3A_156] : memref<32776x32xf32, #tpu.memory_space<vmem_shared>> -> memref<32776x32xf32, #tpu.memory_space<vmem_shared>>
            tpu.enqueue_indirect_dma source(%arg10 : memref<256x32xf32, #tpu.memory_space<vmem>>) target(%dma_start3A_157 : memref<32776x32xf32, #tpu.memory_space<vmem_shared>>) offsets(%arg9 : memref<256xi32, #tpu.memory_space<vmem>>) semaphore(%run_scoped3A : memref<!tpu.dma_semaphore, #tpu.memory_space<semaphore_mem>>) {add = true}
            %dma_wait3A_158 = arith.constant 0 : i32
            %dma_wait3A_159 = arith.constant 0 : i32
            %dma_wait3A_160 = tpu.memref_slice %arg19[%dma_wait3A_158, %dma_wait3A_159] : memref<32776x32xf32, #tpu.memory_space<vmem_shared>> -> memref<32776x32xf32, #tpu.memory_space<vmem_shared>>
            tpu.wait_indirect_dma semaphore(%run_scoped3A : memref<!tpu.dma_semaphore, #tpu.memory_space<semaphore_mem>>) src(%arg10 : memref<256x32xf32, #tpu.memory_space<vmem>>) dst(%dma_wait3A_160 : memref<32776x32xf32, #tpu.memory_space<vmem_shared>>)
            tpu.yield
          }) : () -> ()
          "tpu.region"() ({
            %run_scoped3A = tpu.sem_alloc : memref<!tpu.dma_semaphore, #tpu.memory_space<semaphore_mem>>
            %dma_start3A_155 = arith.constant 0 : i32
            %dma_start3A_156 = tpu.memref_slice %arg20[%dma_start3A_155] : memref<32776xf32, #tpu.memory_space<vmem_shared>> -> memref<32776xf32, #tpu.memory_space<vmem_shared>>
            tpu.enqueue_indirect_dma source(%arg11 : memref<256xf32, #tpu.memory_space<vmem>>) target(%dma_start3A_156 : memref<32776xf32, #tpu.memory_space<vmem_shared>>) offsets(%arg9 : memref<256xi32, #tpu.memory_space<vmem>>) semaphore(%run_scoped3A : memref<!tpu.dma_semaphore, #tpu.memory_space<semaphore_mem>>) {add = true}
            %dma_wait3A_157 = arith.constant 0 : i32
            %dma_wait3A_158 = tpu.memref_slice %arg20[%dma_wait3A_157] : memref<32776xf32, #tpu.memory_space<vmem_shared>> -> memref<32776xf32, #tpu.memory_space<vmem_shared>>
            tpu.wait_indirect_dma semaphore(%run_scoped3A : memref<!tpu.dma_semaphore, #tpu.memory_space<semaphore_mem>>) src(%arg11 : memref<256xf32, #tpu.memory_space<vmem>>) dst(%dma_wait3A_158 : memref<32776xf32, #tpu.memory_space<vmem_shared>>)
            tpu.yield
          }) : () -> ()
          %while3A_154 = arith.constant 0 : i32
          scf.yield %while3A_154 : i32
        }
        %while3A_136 = arith.constant 1 : i32
        %while3A_137 = scf.for %while3A_139 = %while3A_133 to %while3A_129 step %while3A_136 iter_args(%while3A_140 = %while3A_135) -> (i32)  : i32 {
          %mul3A_141 = arith.constant 256 : i32
          %mul3A_142 = arith.muli %while3A_139, %mul3A_141 : i32
          %scan3A_143 = arith.constant 0 : i32
          %scan3A_144 = arith.constant 0 : i32
          %scan3A_145 = arith.constant 16 : i32
          %scan3A_146 = arith.addi %scan3A_144, %scan3A_145 : i32
          %scan3A_147 = arith.constant 1 : i32
          %scan3A_148 = scf.for %scan3A_155 = %scan3A_144 to %scan3A_146 step %scan3A_147 iter_args(%scan3A_156 = %scan3A_143) -> (i32)  : i32 {
            %mul3A_157 = arith.constant 16 : i32
            %mul3A_158 = arith.muli %scan3A_155, %mul3A_157 : i32
            %add3A_159 = arith.addi %mul3A_142, %mul3A_158 : i32
            %get3A = arith.index_cast %add3A_159 : i32 to index
            %get3A_160 = tpu.vector_load %arg7[%get3A] {strides = array<i32>} : memref<4360xi32, #tpu.memory_space<vmem>>, vector<16xi32>,
            %gather3A_161 = tpu.vector_load_idx %arg6[%get3A_160] : memref<4112xi32, #tpu.memory_space<vmem>>[vector<16xi32>], vector<16xi32>,
            %shift_right_logical3A_162 = arith.constant 15 : i32
            %shift_right_logical3A_163 = vector.broadcast %shift_right_logical3A_162 : i32 to vector<16xi32>
            %shift_right_logical3A_164 = arith.shrui %gather3A_161, %shift_right_logical3A_163 : vector<16xi32>
            %eq3A_165 = vector.broadcast %add3A : i32 to vector<16xi32>
            %eq3A_166 = arith.cmpi eq, %shift_right_logical3A_164, %eq3A_165 : vector<16xi32>
            %ge3A = vector.broadcast %sub3A_103 : i32 to vector<16xi32>
            %ge3A_167 = arith.cmpi sge, %get3A_160, %ge3A : vector<16xi32>
            %and3A_168 = arith.andi %eq3A_166, %ge3A_167 : vector<16xi1>
            %lt3A = vector.broadcast %add3A_107 : i32 to vector<16xi32>
            %lt3A_169 = arith.cmpi slt, %get3A_160, %lt3A : vector<16xi32>
            %and3A_170 = arith.andi %and3A_168, %lt3A_169 : vector<16xi1>
            %and3A_171 = arith.constant 32767 : i32
            %and3A_172 = vector.broadcast %and3A_171 : i32 to vector<16xi32>
            %and3A_173 = arith.andi %gather3A_161, %and3A_172 : vector<16xi32>
            %jit3A_174 = arith.constant 32768 : i32
            %broadcast_in_dim3A_175 = vector.broadcast %jit3A_174 : i32 to vector<16xi32>
            %select_n3A_176 = arith.select %and3A_170, %and3A_173, %broadcast_in_dim3A_175 : vector<16xi1>, vector<16xi32>
            %add3A_177 = vector.broadcast %mul3A_102 : i32 to vector<16xi32>
            %add3A_178 = arith.addi %add3A_177, %get3A_160 : vector<16xi32>
            %min3A_179 = arith.constant 524287 : i32
            %min3A_180 = vector.broadcast %min3A_179 : i32 to vector<16xi32>
            %min3A_181 = arith.minsi %add3A_178, %min3A_180 : vector<16xi32>
            %mul3A_182 = arith.constant 16 : i32
            %mul3A_183 = arith.muli %scan3A_155, %mul3A_182 : i32
            %swap3A_184 = arith.index_cast %mul3A_183 : i32 to index
            %swap3A_185 = tpu.vector_load %arg8[%swap3A_184] {strides = array<i32>} : memref<256xi32, #tpu.memory_space<vmem>>, vector<16xi32>,
            tpu.vector_store %arg8[%swap3A_184], %min3A_181 {strides = array<i32>} : memref<256xi32, #tpu.memory_space<vmem>>, vector<16xi32>,
            %mul3A_186 = arith.constant 16 : i32
            %mul3A_187 = arith.muli %scan3A_155, %mul3A_186 : i32
            %swap3A_188 = arith.index_cast %mul3A_187 : i32 to index
            %swap3A_189 = tpu.vector_load %arg9[%swap3A_188] {strides = array<i32>} : memref<256xi32, #tpu.memory_space<vmem>>, vector<16xi32>,
            tpu.vector_store %arg9[%swap3A_188], %select_n3A_176 {strides = array<i32>} : memref<256xi32, #tpu.memory_space<vmem>>, vector<16xi32>,
            %scan3A_190 = arith.constant 0 : i32
            scf.yield %scan3A_190 : i32
          }
          %scan3A_149 = arith.constant 16 : i32
          %dma_start3A = arith.constant 0 : i32
          %dma_start3A_150 = arith.constant 0 : i32
          %dma_start3A_151 = tpu.memref_slice %arg3[%dma_start3A, %dma_start3A_150] : memref<524288x32xf32, #tpu.memory_space<hbm>> -> memref<524288x32xf32, #tpu.memory_space<hbm>>
          tpu.enqueue_indirect_dma source(%dma_start3A_151 : memref<524288x32xf32, #tpu.memory_space<hbm>>) target(%arg10 : memref<256x32xf32, #tpu.memory_space<vmem>>) offsets(%arg8 : memref<256xi32, #tpu.memory_space<vmem>>) semaphore(%arg21 : memref<!tpu.dma_semaphore, #tpu.memory_space<semaphore_mem>>)
          %dma_wait3A = arith.constant 0 : i32
          %dma_wait3A_152 = arith.constant 0 : i32
          %dma_wait3A_153 = tpu.memref_slice %arg3[%dma_wait3A, %dma_wait3A_152] : memref<524288x32xf32, #tpu.memory_space<hbm>> -> memref<524288x32xf32, #tpu.memory_space<hbm>>
          tpu.wait_indirect_dma semaphore(%arg21 : memref<!tpu.dma_semaphore, #tpu.memory_space<semaphore_mem>>) src(%dma_wait3A_153 : memref<524288x32xf32, #tpu.memory_space<hbm>>) dst(%arg10 : memref<256x32xf32, #tpu.memory_space<vmem>>)
          "tpu.region"() ({
            %run_scoped3A = tpu.sem_alloc : memref<!tpu.dma_semaphore, #tpu.memory_space<semaphore_mem>>
            %dma_start3A_155 = arith.constant 0 : i32
            %dma_start3A_156 = arith.constant 0 : i32
            %dma_start3A_157 = tpu.memref_slice %arg19[%dma_start3A_155, %dma_start3A_156] : memref<32776x32xf32, #tpu.memory_space<vmem_shared>> -> memref<32776x32xf32, #tpu.memory_space<vmem_shared>>
            tpu.enqueue_indirect_dma source(%arg10 : memref<256x32xf32, #tpu.memory_space<vmem>>) target(%dma_start3A_157 : memref<32776x32xf32, #tpu.memory_space<vmem_shared>>) offsets(%arg9 : memref<256xi32, #tpu.memory_space<vmem>>) semaphore(%run_scoped3A : memref<!tpu.dma_semaphore, #tpu.memory_space<semaphore_mem>>) {add = true}
            %dma_wait3A_158 = arith.constant 0 : i32
            %dma_wait3A_159 = arith.constant 0 : i32
            %dma_wait3A_160 = tpu.memref_slice %arg19[%dma_wait3A_158, %dma_wait3A_159] : memref<32776x32xf32, #tpu.memory_space<vmem_shared>> -> memref<32776x32xf32, #tpu.memory_space<vmem_shared>>
            tpu.wait_indirect_dma semaphore(%run_scoped3A : memref<!tpu.dma_semaphore, #tpu.memory_space<semaphore_mem>>) src(%arg10 : memref<256x32xf32, #tpu.memory_space<vmem>>) dst(%dma_wait3A_160 : memref<32776x32xf32, #tpu.memory_space<vmem_shared>>)
            tpu.yield
          }) : () -> ()
          "tpu.region"() ({
            %run_scoped3A = tpu.sem_alloc : memref<!tpu.dma_semaphore, #tpu.memory_space<semaphore_mem>>
            %dma_start3A_155 = arith.constant 0 : i32
            %dma_start3A_156 = tpu.memref_slice %arg20[%dma_start3A_155] : memref<32776xf32, #tpu.memory_space<vmem_shared>> -> memref<32776xf32, #tpu.memory_space<vmem_shared>>
            tpu.enqueue_indirect_dma source(%arg11 : memref<256xf32, #tpu.memory_space<vmem>>) target(%dma_start3A_156 : memref<32776xf32, #tpu.memory_space<vmem_shared>>) offsets(%arg9 : memref<256xi32, #tpu.memory_space<vmem>>) semaphore(%run_scoped3A : memref<!tpu.dma_semaphore, #tpu.memory_space<semaphore_mem>>) {add = true}
            %dma_wait3A_157 = arith.constant 0 : i32
            %dma_wait3A_158 = tpu.memref_slice %arg20[%dma_wait3A_157] : memref<32776xf32, #tpu.memory_space<vmem_shared>> -> memref<32776xf32, #tpu.memory_space<vmem_shared>>
            tpu.wait_indirect_dma semaphore(%run_scoped3A : memref<!tpu.dma_semaphore, #tpu.memory_space<semaphore_mem>>) src(%arg11 : memref<256xf32, #tpu.memory_space<vmem>>) dst(%dma_wait3A_158 : memref<32776xf32, #tpu.memory_space<vmem_shared>>)
            tpu.yield
          }) : () -> ()
          %while3A_154 = arith.constant 0 : i32
          scf.yield %while3A_154 : i32
        }
        %while3A_138 = arith.constant 0 : i32
        scf.yield %while3A_138 : i32
      }
      %while3A_76 = arith.constant 1 : i32
      %while3A_77 = scf.for %while3A_91 = %while3A_73 to %while3A_69 step %while3A_76 iter_args(%while3A_92 = %while3A_75) -> (i32)  : i32 {
        %mul3A_93 = arith.muli %arg1, %mul3A_62 : i32
        %add3A_94 = arith.addi %mul3A_55, %mul3A_93 : i32
        %mul3A_95 = arith.constant 4096 : i32
        %mul3A_96 = arith.muli %while3A_91, %mul3A_95 : i32
        %add3A_97 = arith.addi %add3A_94, %mul3A_96 : i32
        %shift_right_logical3A_98 = arith.constant 3 : i32
        %shift_right_logical3A_99 = arith.shrui %add3A_97, %shift_right_logical3A_98 : i32
        %min3A = arith.constant 65024 : i32
        %min3A_100 = arith.minsi %shift_right_logical3A_99, %min3A : i32
        %mul3A_101 = arith.constant 8 : i32
        %mul3A_102 = arith.muli %min3A_100, %mul3A_101 : i32
        %sub3A_103 = arith.subi %add3A_97, %mul3A_102 : i32
        %mul3A_104 = arith.constant 4096 : i32
        %mul3A_105 = arith.muli %while3A_91, %mul3A_104 : i32
        %sub3A_106 = arith.subi %mul3A_62, %mul3A_105 : i32
        %add3A_107 = arith.addi %sub3A_106, %sub3A_103 : i32
        "tpu.region"() ({
          %run_scoped3A = tpu.sem_alloc : memref<!tpu.dma_semaphore, #tpu.memory_space<semaphore_mem>>
          %dma_start3A = arith.constant 0 : i32
          %dma_start3A_139 = tpu.memref_slice %arg6[%dma_start3A] : memref<4112xi32, #tpu.memory_space<vmem>> -> memref<4096xi32, #tpu.memory_space<vmem>>
          %dma_start3A_140 = tpu.memref_slice %arg2[%mul3A_102] : memref<524288xi32, #tpu.memory_space<hbm>> -> memref<4096xi32, #tpu.memory_space<hbm>>
          %dma_start3A_141 = arith.constant 0 : i32
          %dma_start3A_142 = tpu.memref_slice %arg6[%dma_start3A_141] : memref<4112xi32, #tpu.memory_space<vmem>> -> memref<4096xi32, #tpu.memory_space<vmem>>
          %dma_start3A_143 = tpu.memref_slice %arg2[%mul3A_102] : memref<524288xi32, #tpu.memory_space<hbm>> -> memref<4096xi32, #tpu.memory_space<hbm>>
          tpu.enqueue_dma source(%dma_start3A_143 : memref<4096xi32, #tpu.memory_space<hbm>>) target(%dma_start3A_142 : memref<4096xi32, #tpu.memory_space<vmem>>) target_semaphore(%run_scoped3A : memref<!tpu.dma_semaphore, #tpu.memory_space<semaphore_mem>>)
          %dma_wait3A = arith.constant 0 : i32
          %dma_wait3A_144 = tpu.memref_slice %arg6[%dma_wait3A] : memref<4112xi32, #tpu.memory_space<vmem>> -> memref<4096xi32, #tpu.memory_space<vmem>>
          %dma_wait3A_145 = tpu.memref_slice %arg2[%mul3A_102] : memref<524288xi32, #tpu.memory_space<hbm>> -> memref<4096xi32, #tpu.memory_space<hbm>>
          %dma_wait3A_146 = arith.constant 0 : i32
          %dma_wait3A_147 = tpu.memref_slice %arg6[%dma_wait3A_146] : memref<4112xi32, #tpu.memory_space<vmem>> -> memref<4096xi32, #tpu.memory_space<vmem>>
          %dma_wait3A_148 = tpu.memref_slice %arg2[%mul3A_102] : memref<524288xi32, #tpu.memory_space<hbm>> -> memref<4096xi32, #tpu.memory_space<hbm>>
          tpu.wait_dma2 semaphore(%run_scoped3A : memref<!tpu.dma_semaphore, #tpu.memory_space<semaphore_mem>>) src(%dma_wait3A_148 : memref<4096xi32, #tpu.memory_space<hbm>>) dst(%dma_wait3A_147 : memref<4096xi32, #tpu.memory_space<vmem>>)
          tpu.yield
        }) : () -> ()
        %scan3A_108 = arith.constant 0 : i32
        %scan3A_109 = arith.constant 0 : i32
        %scan3A_110 = arith.constant 256 : i32
        %scan3A_111 = arith.addi %scan3A_109, %scan3A_110 : i32
        %scan3A_112 = arith.constant 1 : i32
        %scan3A_113 = scf.for %scan3A_139 = %scan3A_109 to %scan3A_111 step %scan3A_112 iter_args(%scan3A_140 = %scan3A_108) -> (i32)  : i32 {
          %mul3A_141 = arith.constant 16 : i32
          %mul3A_142 = arith.muli %scan3A_139, %mul3A_141 : i32
          %add3A_143 = vector.broadcast %mul3A_142 : i32 to vector<16xi32>
          %add3A_144 = arith.addi %add3A_143, %iota3A : vector<16xi32>
          %mul3A_145 = arith.constant 16 : i32
          %mul3A_146 = arith.muli %scan3A_139, %mul3A_145 : i32
          %get3A = arith.index_cast %mul3A_146 : i32 to index
          %get3A_147 = tpu.vector_load %arg6[%get3A] {strides = array<i32>} : memref<4112xi32, #tpu.memory_space<vmem>>, vector<16xi32>,
          %shift_right_logical3A_148 = arith.constant 15 : i32
          %shift_right_logical3A_149 = vector.broadcast %shift_right_logical3A_148 : i32 to vector<16xi32>
          %shift_right_logical3A_150 = arith.shrui %get3A_147, %shift_right_logical3A_149 : vector<16xi32>
          %eq3A_151 = vector.broadcast %add3A : i32 to vector<16xi32>
          %eq3A_152 = arith.cmpi eq, %shift_right_logical3A_150, %eq3A_151 : vector<16xi32>
          %ge3A = vector.broadcast %sub3A_103 : i32 to vector<16xi32>
          %ge3A_153 = arith.cmpi sge, %add3A_144, %ge3A : vector<16xi32>
          %and3A_154 = arith.andi %eq3A_152, %ge3A_153 : vector<16xi1>
          %lt3A = vector.broadcast %add3A_107 : i32 to vector<16xi32>
          %lt3A_155 = arith.cmpi slt, %add3A_144, %lt3A : vector<16xi32>
          %and3A_156 = arith.andi %and3A_154, %lt3A_155 : vector<16xi1>
          %convert_element_type3A = arith.extui %and3A_156 : vector<16xi1> to vector<16xi32>
          %broadcast_in_dim3A_157 = arith.constant true
          %broadcast_in_dim3A_158 = vector.broadcast %broadcast_in_dim3A_157 : i1 to vector<16xi1>
          %masked_cumsum3A = tpu.scan <sum>, %convert_element_type3A masked %broadcast_in_dim3A_158 : vector<16xi32>, vector<16xi1> -> vector<16xi32>
          %add3A_159 = vector.broadcast %scan3A_140 : i32 to vector<16xi32>
          %add3A_160 = arith.addi %add3A_159, %masked_cumsum3A : vector<16xi32>
          %sub3A_161 = arith.constant 1 : i32
          %sub3A_162 = vector.broadcast %sub3A_161 : i32 to vector<16xi32>
          %sub3A_163 = arith.subi %add3A_160, %sub3A_162 : vector<16xi32>
          %jit3A_164 = arith.constant 4352 : i32
          %broadcast_in_dim3A_165 = vector.broadcast %jit3A_164 : i32 to vector<16xi32>
          %select_n3A_166 = arith.select %and3A_156, %sub3A_163, %broadcast_in_dim3A_165 : vector<16xi1>, vector<16xi32>
          tpu.vector_store_idx %arg7[%select_n3A_166], %add3A_144 : memref<4360xi32, #tpu.memory_space<vmem>>[vector<16xi32>], vector<16xi32>,
          %slice3A_167 = vector.extract_strided_slice %masked_cumsum3A {offsets = [15], sizes = [1], strides = [1]} : vector<16xi32> to vector<1xi32>
          %squeeze3A_168 = vector.extract %slice3A_167[0] : i32 from vector<1xi32>
          %add3A_169 = arith.addi %scan3A_140, %squeeze3A_168 : i32
          scf.yield %add3A_169 : i32
        }
        %scan3A_114 = arith.constant 256 : i32
        %scan3A_115 = arith.constant 0 : i32
        %scan3A_116 = arith.constant 0 : i32
        %scan3A_117 = arith.constant 16 : i32
        %scan3A_118 = arith.addi %scan3A_116, %scan3A_117 : i32
        %scan3A_119 = arith.constant 1 : i32
        %scan3A_120 = scf.for %scan3A_139 = %scan3A_116 to %scan3A_118 step %scan3A_119 iter_args(%scan3A_140 = %scan3A_115) -> (i32)  : i32 {
          %broadcast_in_dim3A_141 = arith.constant 4096 : i32
          %broadcast_in_dim3A_142 = vector.broadcast %broadcast_in_dim3A_141 : i32 to vector<16xi32>
          %mul3A_143 = arith.constant 16 : i32
          %mul3A_144 = arith.muli %scan3A_139, %mul3A_143 : i32
          %add3A_145 = arith.addi %scan3A_113, %mul3A_144 : i32
          %swap3A_146 = arith.index_cast %add3A_145 : i32 to index
          %swap3A_147 = tpu.vector_load %arg7[%swap3A_146] {strides = array<i32>} : memref<4360xi32, #tpu.memory_space<vmem>>, vector<16xi32>,
          tpu.vector_store %arg7[%swap3A_146], %broadcast_in_dim3A_142 {strides = array<i32>} : memref<4360xi32, #tpu.memory_space<vmem>>, vector<16xi32>,
          %scan3A_148 = arith.constant 0 : i32
          scf.yield %scan3A_148 : i32
        }
        %scan3A_121 = arith.constant 16 : i32
        %add3A_122 = arith.constant 255 : i32
        %add3A_123 = arith.addi %scan3A_113, %add3A_122 : i32
        %shift_right_logical3A_124 = arith.constant 8 : i32
        %shift_right_logical3A_125 = arith.shrui %add3A_123, %shift_right_logical3A_124 : i32
        %while3A_126 = arith.constant 0 : i32
        %while3A_127 = arith.constant 0 : i32
        %while3A_128 = arith.subi %shift_right_logical3A_125, %while3A_126 : i32
        %while3A_129 = arith.addi %while3A_126, %while3A_128 : i32
        %while3A_130 = arith.constant 1 : i32
        %while3A_131 = arith.divsi %while3A_128, %while3A_130 : i32
        %while3A_132 = arith.muli %while3A_131, %while3A_130 : i32
        %while3A_133 = arith.addi %while3A_126, %while3A_132 : i32
        %while3A_134 = arith.constant 1 : i32
        %while3A_135 = scf.for %while3A_139 = %while3A_126 to %while3A_133 step %while3A_134 iter_args(%while3A_140 = %while3A_127) -> (i32)  : i32 {
          %mul3A_141 = arith.constant 256 : i32
          %mul3A_142 = arith.muli %while3A_139, %mul3A_141 : i32
          %scan3A_143 = arith.constant 0 : i32
          %scan3A_144 = arith.constant 0 : i32
          %scan3A_145 = arith.constant 16 : i32
          %scan3A_146 = arith.addi %scan3A_144, %scan3A_145 : i32
          %scan3A_147 = arith.constant 1 : i32
          %scan3A_148 = scf.for %scan3A_155 = %scan3A_144 to %scan3A_146 step %scan3A_147 iter_args(%scan3A_156 = %scan3A_143) -> (i32)  : i32 {
            %mul3A_157 = arith.constant 16 : i32
            %mul3A_158 = arith.muli %scan3A_155, %mul3A_157 : i32
            %add3A_159 = arith.addi %mul3A_142, %mul3A_158 : i32
            %get3A = arith.index_cast %add3A_159 : i32 to index
            %get3A_160 = tpu.vector_load %arg7[%get3A] {strides = array<i32>} : memref<4360xi32, #tpu.memory_space<vmem>>, vector<16xi32>,
            %gather3A_161 = tpu.vector_load_idx %arg6[%get3A_160] : memref<4112xi32, #tpu.memory_space<vmem>>[vector<16xi32>], vector<16xi32>,
            %shift_right_logical3A_162 = arith.constant 15 : i32
            %shift_right_logical3A_163 = vector.broadcast %shift_right_logical3A_162 : i32 to vector<16xi32>
            %shift_right_logical3A_164 = arith.shrui %gather3A_161, %shift_right_logical3A_163 : vector<16xi32>
            %eq3A_165 = vector.broadcast %add3A : i32 to vector<16xi32>
            %eq3A_166 = arith.cmpi eq, %shift_right_logical3A_164, %eq3A_165 : vector<16xi32>
            %ge3A = vector.broadcast %sub3A_103 : i32 to vector<16xi32>
            %ge3A_167 = arith.cmpi sge, %get3A_160, %ge3A : vector<16xi32>
            %and3A_168 = arith.andi %eq3A_166, %ge3A_167 : vector<16xi1>
            %lt3A = vector.broadcast %add3A_107 : i32 to vector<16xi32>
            %lt3A_169 = arith.cmpi slt, %get3A_160, %lt3A : vector<16xi32>
            %and3A_170 = arith.andi %and3A_168, %lt3A_169 : vector<16xi1>
            %and3A_171 = arith.constant 32767 : i32
            %and3A_172 = vector.broadcast %and3A_171 : i32 to vector<16xi32>
            %and3A_173 = arith.andi %gather3A_161, %and3A_172 : vector<16xi32>
            %jit3A_174 = arith.constant 32768 : i32
            %broadcast_in_dim3A_175 = vector.broadcast %jit3A_174 : i32 to vector<16xi32>
            %select_n3A_176 = arith.select %and3A_170, %and3A_173, %broadcast_in_dim3A_175 : vector<16xi1>, vector<16xi32>
            %add3A_177 = vector.broadcast %mul3A_102 : i32 to vector<16xi32>
            %add3A_178 = arith.addi %add3A_177, %get3A_160 : vector<16xi32>
            %min3A_179 = arith.constant 524287 : i32
            %min3A_180 = vector.broadcast %min3A_179 : i32 to vector<16xi32>
            %min3A_181 = arith.minsi %add3A_178, %min3A_180 : vector<16xi32>
            %mul3A_182 = arith.constant 16 : i32
            %mul3A_183 = arith.muli %scan3A_155, %mul3A_182 : i32
            %swap3A_184 = arith.index_cast %mul3A_183 : i32 to index
            %swap3A_185 = tpu.vector_load %arg8[%swap3A_184] {strides = array<i32>} : memref<256xi32, #tpu.memory_space<vmem>>, vector<16xi32>,
            tpu.vector_store %arg8[%swap3A_184], %min3A_181 {strides = array<i32>} : memref<256xi32, #tpu.memory_space<vmem>>, vector<16xi32>,
            %mul3A_186 = arith.constant 16 : i32
            %mul3A_187 = arith.muli %scan3A_155, %mul3A_186 : i32
            %swap3A_188 = arith.index_cast %mul3A_187 : i32 to index
            %swap3A_189 = tpu.vector_load %arg9[%swap3A_188] {strides = array<i32>} : memref<256xi32, #tpu.memory_space<vmem>>, vector<16xi32>,
            tpu.vector_store %arg9[%swap3A_188], %select_n3A_176 {strides = array<i32>} : memref<256xi32, #tpu.memory_space<vmem>>, vector<16xi32>,
            %scan3A_190 = arith.constant 0 : i32
            scf.yield %scan3A_190 : i32
          }
          %scan3A_149 = arith.constant 16 : i32
          %dma_start3A = arith.constant 0 : i32
          %dma_start3A_150 = arith.constant 0 : i32
          %dma_start3A_151 = tpu.memref_slice %arg3[%dma_start3A, %dma_start3A_150] : memref<524288x32xf32, #tpu.memory_space<hbm>> -> memref<524288x32xf32, #tpu.memory_space<hbm>>
          tpu.enqueue_indirect_dma source(%dma_start3A_151 : memref<524288x32xf32, #tpu.memory_space<hbm>>) target(%arg10 : memref<256x32xf32, #tpu.memory_space<vmem>>) offsets(%arg8 : memref<256xi32, #tpu.memory_space<vmem>>) semaphore(%arg21 : memref<!tpu.dma_semaphore, #tpu.memory_space<semaphore_mem>>)
          %dma_wait3A = arith.constant 0 : i32
          %dma_wait3A_152 = arith.constant 0 : i32
          %dma_wait3A_153 = tpu.memref_slice %arg3[%dma_wait3A, %dma_wait3A_152] : memref<524288x32xf32, #tpu.memory_space<hbm>> -> memref<524288x32xf32, #tpu.memory_space<hbm>>
          tpu.wait_indirect_dma semaphore(%arg21 : memref<!tpu.dma_semaphore, #tpu.memory_space<semaphore_mem>>) src(%dma_wait3A_153 : memref<524288x32xf32, #tpu.memory_space<hbm>>) dst(%arg10 : memref<256x32xf32, #tpu.memory_space<vmem>>)
          "tpu.region"() ({
            %run_scoped3A = tpu.sem_alloc : memref<!tpu.dma_semaphore, #tpu.memory_space<semaphore_mem>>
            %dma_start3A_155 = arith.constant 0 : i32
            %dma_start3A_156 = arith.constant 0 : i32
            %dma_start3A_157 = tpu.memref_slice %arg19[%dma_start3A_155, %dma_start3A_156] : memref<32776x32xf32, #tpu.memory_space<vmem_shared>> -> memref<32776x32xf32, #tpu.memory_space<vmem_shared>>
            tpu.enqueue_indirect_dma source(%arg10 : memref<256x32xf32, #tpu.memory_space<vmem>>) target(%dma_start3A_157 : memref<32776x32xf32, #tpu.memory_space<vmem_shared>>) offsets(%arg9 : memref<256xi32, #tpu.memory_space<vmem>>) semaphore(%run_scoped3A : memref<!tpu.dma_semaphore, #tpu.memory_space<semaphore_mem>>) {add = true}
            %dma_wait3A_158 = arith.constant 0 : i32
            %dma_wait3A_159 = arith.constant 0 : i32
            %dma_wait3A_160 = tpu.memref_slice %arg19[%dma_wait3A_158, %dma_wait3A_159] : memref<32776x32xf32, #tpu.memory_space<vmem_shared>> -> memref<32776x32xf32, #tpu.memory_space<vmem_shared>>
            tpu.wait_indirect_dma semaphore(%run_scoped3A : memref<!tpu.dma_semaphore, #tpu.memory_space<semaphore_mem>>) src(%arg10 : memref<256x32xf32, #tpu.memory_space<vmem>>) dst(%dma_wait3A_160 : memref<32776x32xf32, #tpu.memory_space<vmem_shared>>)
            tpu.yield
          }) : () -> ()
          "tpu.region"() ({
            %run_scoped3A = tpu.sem_alloc : memref<!tpu.dma_semaphore, #tpu.memory_space<semaphore_mem>>
            %dma_start3A_155 = arith.constant 0 : i32
            %dma_start3A_156 = tpu.memref_slice %arg20[%dma_start3A_155] : memref<32776xf32, #tpu.memory_space<vmem_shared>> -> memref<32776xf32, #tpu.memory_space<vmem_shared>>
            tpu.enqueue_indirect_dma source(%arg11 : memref<256xf32, #tpu.memory_space<vmem>>) target(%dma_start3A_156 : memref<32776xf32, #tpu.memory_space<vmem_shared>>) offsets(%arg9 : memref<256xi32, #tpu.memory_space<vmem>>) semaphore(%run_scoped3A : memref<!tpu.dma_semaphore, #tpu.memory_space<semaphore_mem>>) {add = true}
            %dma_wait3A_157 = arith.constant 0 : i32
            %dma_wait3A_158 = tpu.memref_slice %arg20[%dma_wait3A_157] : memref<32776xf32, #tpu.memory_space<vmem_shared>> -> memref<32776xf32, #tpu.memory_space<vmem_shared>>
            tpu.wait_indirect_dma semaphore(%run_scoped3A : memref<!tpu.dma_semaphore, #tpu.memory_space<semaphore_mem>>) src(%arg11 : memref<256xf32, #tpu.memory_space<vmem>>) dst(%dma_wait3A_158 : memref<32776xf32, #tpu.memory_space<vmem_shared>>)
            tpu.yield
          }) : () -> ()
          %while3A_154 = arith.constant 0 : i32
          scf.yield %while3A_154 : i32
        }
        %while3A_136 = arith.constant 1 : i32
        %while3A_137 = scf.for %while3A_139 = %while3A_133 to %while3A_129 step %while3A_136 iter_args(%while3A_140 = %while3A_135) -> (i32)  : i32 {
          %mul3A_141 = arith.constant 256 : i32
          %mul3A_142 = arith.muli %while3A_139, %mul3A_141 : i32
          %scan3A_143 = arith.constant 0 : i32
          %scan3A_144 = arith.constant 0 : i32
          %scan3A_145 = arith.constant 16 : i32
          %scan3A_146 = arith.addi %scan3A_144, %scan3A_145 : i32
          %scan3A_147 = arith.constant 1 : i32
          %scan3A_148 = scf.for %scan3A_155 = %scan3A_144 to %scan3A_146 step %scan3A_147 iter_args(%scan3A_156 = %scan3A_143) -> (i32)  : i32 {
            %mul3A_157 = arith.constant 16 : i32
            %mul3A_158 = arith.muli %scan3A_155, %mul3A_157 : i32
            %add3A_159 = arith.addi %mul3A_142, %mul3A_158 : i32
            %get3A = arith.index_cast %add3A_159 : i32 to index
            %get3A_160 = tpu.vector_load %arg7[%get3A] {strides = array<i32>} : memref<4360xi32, #tpu.memory_space<vmem>>, vector<16xi32>,
            %gather3A_161 = tpu.vector_load_idx %arg6[%get3A_160] : memref<4112xi32, #tpu.memory_space<vmem>>[vector<16xi32>], vector<16xi32>,
            %shift_right_logical3A_162 = arith.constant 15 : i32
            %shift_right_logical3A_163 = vector.broadcast %shift_right_logical3A_162 : i32 to vector<16xi32>
            %shift_right_logical3A_164 = arith.shrui %gather3A_161, %shift_right_logical3A_163 : vector<16xi32>
            %eq3A_165 = vector.broadcast %add3A : i32 to vector<16xi32>
            %eq3A_166 = arith.cmpi eq, %shift_right_logical3A_164, %eq3A_165 : vector<16xi32>
            %ge3A = vector.broadcast %sub3A_103 : i32 to vector<16xi32>
            %ge3A_167 = arith.cmpi sge, %get3A_160, %ge3A : vector<16xi32>
            %and3A_168 = arith.andi %eq3A_166, %ge3A_167 : vector<16xi1>
            %lt3A = vector.broadcast %add3A_107 : i32 to vector<16xi32>
            %lt3A_169 = arith.cmpi slt, %get3A_160, %lt3A : vector<16xi32>
            %and3A_170 = arith.andi %and3A_168, %lt3A_169 : vector<16xi1>
            %and3A_171 = arith.constant 32767 : i32
            %and3A_172 = vector.broadcast %and3A_171 : i32 to vector<16xi32>
            %and3A_173 = arith.andi %gather3A_161, %and3A_172 : vector<16xi32>
            %jit3A_174 = arith.constant 32768 : i32
            %broadcast_in_dim3A_175 = vector.broadcast %jit3A_174 : i32 to vector<16xi32>
            %select_n3A_176 = arith.select %and3A_170, %and3A_173, %broadcast_in_dim3A_175 : vector<16xi1>, vector<16xi32>
            %add3A_177 = vector.broadcast %mul3A_102 : i32 to vector<16xi32>
            %add3A_178 = arith.addi %add3A_177, %get3A_160 : vector<16xi32>
            %min3A_179 = arith.constant 524287 : i32
            %min3A_180 = vector.broadcast %min3A_179 : i32 to vector<16xi32>
            %min3A_181 = arith.minsi %add3A_178, %min3A_180 : vector<16xi32>
            %mul3A_182 = arith.constant 16 : i32
            %mul3A_183 = arith.muli %scan3A_155, %mul3A_182 : i32
            %swap3A_184 = arith.index_cast %mul3A_183 : i32 to index
            %swap3A_185 = tpu.vector_load %arg8[%swap3A_184] {strides = array<i32>} : memref<256xi32, #tpu.memory_space<vmem>>, vector<16xi32>,
            tpu.vector_store %arg8[%swap3A_184], %min3A_181 {strides = array<i32>} : memref<256xi32, #tpu.memory_space<vmem>>, vector<16xi32>,
            %mul3A_186 = arith.constant 16 : i32
            %mul3A_187 = arith.muli %scan3A_155, %mul3A_186 : i32
            %swap3A_188 = arith.index_cast %mul3A_187 : i32 to index
            %swap3A_189 = tpu.vector_load %arg9[%swap3A_188] {strides = array<i32>} : memref<256xi32, #tpu.memory_space<vmem>>, vector<16xi32>,
            tpu.vector_store %arg9[%swap3A_188], %select_n3A_176 {strides = array<i32>} : memref<256xi32, #tpu.memory_space<vmem>>, vector<16xi32>,
            %scan3A_190 = arith.constant 0 : i32
            scf.yield %scan3A_190 : i32
          }
          %scan3A_149 = arith.constant 16 : i32
          %dma_start3A = arith.constant 0 : i32
          %dma_start3A_150 = arith.constant 0 : i32
          %dma_start3A_151 = tpu.memref_slice %arg3[%dma_start3A, %dma_start3A_150] : memref<524288x32xf32, #tpu.memory_space<hbm>> -> memref<524288x32xf32, #tpu.memory_space<hbm>>
          tpu.enqueue_indirect_dma source(%dma_start3A_151 : memref<524288x32xf32, #tpu.memory_space<hbm>>) target(%arg10 : memref<256x32xf32, #tpu.memory_space<vmem>>) offsets(%arg8 : memref<256xi32, #tpu.memory_space<vmem>>) semaphore(%arg21 : memref<!tpu.dma_semaphore, #tpu.memory_space<semaphore_mem>>)
          %dma_wait3A = arith.constant 0 : i32
          %dma_wait3A_152 = arith.constant 0 : i32
          %dma_wait3A_153 = tpu.memref_slice %arg3[%dma_wait3A, %dma_wait3A_152] : memref<524288x32xf32, #tpu.memory_space<hbm>> -> memref<524288x32xf32, #tpu.memory_space<hbm>>
          tpu.wait_indirect_dma semaphore(%arg21 : memref<!tpu.dma_semaphore, #tpu.memory_space<semaphore_mem>>) src(%dma_wait3A_153 : memref<524288x32xf32, #tpu.memory_space<hbm>>) dst(%arg10 : memref<256x32xf32, #tpu.memory_space<vmem>>)
          "tpu.region"() ({
            %run_scoped3A = tpu.sem_alloc : memref<!tpu.dma_semaphore, #tpu.memory_space<semaphore_mem>>
            %dma_start3A_155 = arith.constant 0 : i32
            %dma_start3A_156 = arith.constant 0 : i32
            %dma_start3A_157 = tpu.memref_slice %arg19[%dma_start3A_155, %dma_start3A_156] : memref<32776x32xf32, #tpu.memory_space<vmem_shared>> -> memref<32776x32xf32, #tpu.memory_space<vmem_shared>>
            tpu.enqueue_indirect_dma source(%arg10 : memref<256x32xf32, #tpu.memory_space<vmem>>) target(%dma_start3A_157 : memref<32776x32xf32, #tpu.memory_space<vmem_shared>>) offsets(%arg9 : memref<256xi32, #tpu.memory_space<vmem>>) semaphore(%run_scoped3A : memref<!tpu.dma_semaphore, #tpu.memory_space<semaphore_mem>>) {add = true}
            %dma_wait3A_158 = arith.constant 0 : i32
            %dma_wait3A_159 = arith.constant 0 : i32
            %dma_wait3A_160 = tpu.memref_slice %arg19[%dma_wait3A_158, %dma_wait3A_159] : memref<32776x32xf32, #tpu.memory_space<vmem_shared>> -> memref<32776x32xf32, #tpu.memory_space<vmem_shared>>
            tpu.wait_indirect_dma semaphore(%run_scoped3A : memref<!tpu.dma_semaphore, #tpu.memory_space<semaphore_mem>>) src(%arg10 : memref<256x32xf32, #tpu.memory_space<vmem>>) dst(%dma_wait3A_160 : memref<32776x32xf32, #tpu.memory_space<vmem_shared>>)
            tpu.yield
          }) : () -> ()
          "tpu.region"() ({
            %run_scoped3A = tpu.sem_alloc : memref<!tpu.dma_semaphore, #tpu.memory_space<semaphore_mem>>
            %dma_start3A_155 = arith.constant 0 : i32
            %dma_start3A_156 = tpu.memref_slice %arg20[%dma_start3A_155] : memref<32776xf32, #tpu.memory_space<vmem_shared>> -> memref<32776xf32, #tpu.memory_space<vmem_shared>>
            tpu.enqueue_indirect_dma source(%arg11 : memref<256xf32, #tpu.memory_space<vmem>>) target(%dma_start3A_156 : memref<32776xf32, #tpu.memory_space<vmem_shared>>) offsets(%arg9 : memref<256xi32, #tpu.memory_space<vmem>>) semaphore(%run_scoped3A : memref<!tpu.dma_semaphore, #tpu.memory_space<semaphore_mem>>) {add = true}
            %dma_wait3A_157 = arith.constant 0 : i32
            %dma_wait3A_158 = tpu.memref_slice %arg20[%dma_wait3A_157] : memref<32776xf32, #tpu.memory_space<vmem_shared>> -> memref<32776xf32, #tpu.memory_space<vmem_shared>>
            tpu.wait_indirect_dma semaphore(%run_scoped3A : memref<!tpu.dma_semaphore, #tpu.memory_space<semaphore_mem>>) src(%arg11 : memref<256xf32, #tpu.memory_space<vmem>>) dst(%dma_wait3A_158 : memref<32776xf32, #tpu.memory_space<vmem_shared>>)
            tpu.yield
          }) : () -> ()
          %while3A_154 = arith.constant 0 : i32
          scf.yield %while3A_154 : i32
        }
        %while3A_138 = arith.constant 0 : i32
        scf.yield %while3A_138 : i32
      }
      %barrier3A_78 = arith.constant 0 : index
      tpu.barrier barrier_id(%barrier3A_78)
      %shift_right_logical3A_79 = arith.constant 1 : i32
      %shift_right_logical3A_80 = arith.shrui %add3A, %shift_right_logical3A_79 : i32
      %and3A = arith.constant 1 : i32
      %and3A_81 = arith.andi %add3A, %and3A : i32
      %scan3A_82 = arith.constant 0 : i32
      %scan3A_83 = arith.constant 0 : i32
      %scan3A_84 = arith.constant 8 : i32
      %scan3A_85 = arith.addi %scan3A_83, %scan3A_84 : i32
      %scan3A_86 = arith.constant 1 : i32
      %scan3A_87 = scf.for %scan3A_91 = %scan3A_83 to %scan3A_85 step %scan3A_86 iter_args(%scan3A_92 = %scan3A_82) -> (i32)  : i32 {
        %mul3A_93 = arith.constant 2048 : i32
        %mul3A_94 = arith.muli %arg1, %mul3A_93 : i32
        %mul3A_95 = arith.constant 256 : i32
        %mul3A_96 = arith.muli %scan3A_91, %mul3A_95 : i32
        %add3A_97 = arith.addi %mul3A_94, %mul3A_96 : i32
        "tpu.region"() ({
          %run_scoped3A = tpu.sem_alloc : memref<!tpu.dma_semaphore, #tpu.memory_space<semaphore_mem>>
          %dma_start3A = arith.constant 0 : i32
          %dma_start3A_142 = tpu.memref_slice %arg19[%add3A_97, %dma_start3A] : memref<32776x32xf32, #tpu.memory_space<vmem_shared>> -> memref<256x32xf32, #tpu.memory_space<vmem_shared>>
          %dma_start3A_143 = arith.constant 0 : i32
          %dma_start3A_144 = tpu.memref_slice %arg19[%add3A_97, %dma_start3A_143] : memref<32776x32xf32, #tpu.memory_space<vmem_shared>> -> memref<256x32xf32, #tpu.memory_space<vmem_shared>>
          tpu.enqueue_dma source(%dma_start3A_144 : memref<256x32xf32, #tpu.memory_space<vmem_shared>>) target(%arg13 : memref<256x32xf32, #tpu.memory_space<vmem>>) target_semaphore(%run_scoped3A : memref<!tpu.dma_semaphore, #tpu.memory_space<semaphore_mem>>)
          %dma_wait3A = arith.constant 0 : i32
          %dma_wait3A_145 = tpu.memref_slice %arg19[%add3A_97, %dma_wait3A] : memref<32776x32xf32, #tpu.memory_space<vmem_shared>> -> memref<256x32xf32, #tpu.memory_space<vmem_shared>>
          %dma_wait3A_146 = arith.constant 0 : i32
          %dma_wait3A_147 = tpu.memref_slice %arg19[%add3A_97, %dma_wait3A_146] : memref<32776x32xf32, #tpu.memory_space<vmem_shared>> -> memref<256x32xf32, #tpu.memory_space<vmem_shared>>
          tpu.wait_dma2 semaphore(%run_scoped3A : memref<!tpu.dma_semaphore, #tpu.memory_space<semaphore_mem>>) src(%dma_wait3A_147 : memref<256x32xf32, #tpu.memory_space<vmem_shared>>) dst(%arg13 : memref<256x32xf32, #tpu.memory_space<vmem>>)
          tpu.yield
        }) : () -> ()
        "tpu.region"() ({
          %run_scoped3A = tpu.sem_alloc : memref<!tpu.dma_semaphore, #tpu.memory_space<semaphore_mem>>
          %dma_start3A = tpu.memref_slice %arg20[%add3A_97] : memref<32776xf32, #tpu.memory_space<vmem_shared>> -> memref<256xf32, #tpu.memory_space<vmem_shared>>
          %dma_start3A_142 = tpu.memref_slice %arg20[%add3A_97] : memref<32776xf32, #tpu.memory_space<vmem_shared>> -> memref<256xf32, #tpu.memory_space<vmem_shared>>
          tpu.enqueue_dma source(%dma_start3A_142 : memref<256xf32, #tpu.memory_space<vmem_shared>>) target(%arg14 : memref<256xf32, #tpu.memory_space<vmem>>) target_semaphore(%run_scoped3A : memref<!tpu.dma_semaphore, #tpu.memory_space<semaphore_mem>>)
          %dma_wait3A = tpu.memref_slice %arg20[%add3A_97] : memref<32776xf32, #tpu.memory_space<vmem_shared>> -> memref<256xf32, #tpu.memory_space<vmem_shared>>
          %dma_wait3A_143 = tpu.memref_slice %arg20[%add3A_97] : memref<32776xf32, #tpu.memory_space<vmem_shared>> -> memref<256xf32, #tpu.memory_space<vmem_shared>>
          tpu.wait_dma2 semaphore(%run_scoped3A : memref<!tpu.dma_semaphore, #tpu.memory_space<semaphore_mem>>) src(%dma_wait3A_143 : memref<256xf32, #tpu.memory_space<vmem_shared>>) dst(%arg14 : memref<256xf32, #tpu.memory_space<vmem>>)
          tpu.yield
        }) : () -> ()
        %scan3A_98 = arith.constant 0 : i32
        %scan3A_99 = arith.constant 0 : i32
        %scan3A_100 = arith.constant 16 : i32
        %scan3A_101 = arith.addi %scan3A_99, %scan3A_100 : i32
        %scan3A_102 = arith.constant 1 : i32
        %scan3A_103 = scf.for %scan3A_142 = %scan3A_99 to %scan3A_101 step %scan3A_102 iter_args(%scan3A_143 = %scan3A_98) -> (i32)  : i32 {
          %mul3A_144 = arith.constant 16 : i32
          %mul3A_145 = arith.muli %scan3A_142, %mul3A_144 : i32
          %get3A = arith.index_cast %mul3A_145 : i32 to index
          %get3A_146 = tpu.vector_load %arg14[%get3A] {strides = array<i32>} : memref<256xf32, #tpu.memory_space<vmem>>, vector<16xf32>,
          %max3A_147 = arith.constant 1.000000e+00 : f32
          %max3A_148 = vector.broadcast %max3A_147 : f32 to vector<16xf32>
          %max3A_149 = arith.maximumf %get3A_146, %max3A_148 : vector<16xf32>
          %div3A = arith.constant 1.000000e+00 : f32
          %div3A_150 = vector.broadcast %div3A : f32 to vector<16xf32>
          %div3A_151 = arith.divf %div3A_150, %max3A_149 : vector<16xf32>
          %mul3A_152 = arith.constant 16 : i32
          %mul3A_153 = arith.muli %scan3A_142, %mul3A_152 : i32
          %swap3A_154 = arith.index_cast %mul3A_153 : i32 to index
          %swap3A_155 = tpu.vector_load %arg15[%swap3A_154] {strides = array<i32>} : memref<256xf32, #tpu.memory_space<vmem>>, vector<16xf32>,
          tpu.vector_store %arg15[%swap3A_154], %div3A_151 {strides = array<i32>} : memref<256xf32, #tpu.memory_space<vmem>>, vector<16xf32>,
          %scan3A_156 = arith.constant 0 : i32
          scf.yield %scan3A_156 : i32
        }
        %scan3A_104 = arith.constant 16 : i32
        %mul3A_105 = arith.constant 32 : i32
        %mul3A_106 = arith.muli %shift_right_logical3A_80, %mul3A_105 : i32
        %mul3A_107 = arith.constant 256 : i32
        %mul3A_108 = arith.muli %mul3A_106, %mul3A_107 : i32
        %mul3A_109 = arith.constant 256 : i32
        %mul3A_110 = arith.muli %mul3A_108, %mul3A_109 : i32
        %mul3A_111 = arith.constant 32768 : i32
        %mul3A_112 = arith.muli %and3A_81, %mul3A_111 : i32
        %add3A_113 = arith.addi %mul3A_110, %mul3A_112 : i32
        %mul3A_114 = arith.constant 2048 : i32
        %mul3A_115 = arith.muli %arg1, %mul3A_114 : i32
        %add3A_116 = arith.addi %add3A_113, %mul3A_115 : i32
        %mul3A_117 = arith.constant 256 : i32
        %mul3A_118 = arith.muli %scan3A_91, %mul3A_117 : i32
        %add3A_119 = arith.addi %add3A_116, %mul3A_118 : i32
        %scan3A_120 = arith.constant 0 : i32
        %scan3A_121 = arith.constant 0 : i32
        %scan3A_122 = arith.constant 32 : i32
        %scan3A_123 = arith.addi %scan3A_121, %scan3A_122 : i32
        %scan3A_124 = arith.constant 1 : i32
        %scan3A_125 = scf.for %scan3A_142 = %scan3A_121 to %scan3A_123 step %scan3A_124 iter_args(%scan3A_143 = %scan3A_120) -> (i32)  : i32 {
          %scan3A_144 = arith.constant 0 : i32
          %scan3A_145 = arith.constant 0 : i32
          %scan3A_146 = arith.constant 16 : i32
          %scan3A_147 = arith.addi %scan3A_145, %scan3A_146 : i32
          %scan3A_148 = arith.constant 1 : i32
          %scan3A_149 = scf.for %scan3A_162 = %scan3A_145 to %scan3A_147 step %scan3A_148 iter_args(%scan3A_163 = %scan3A_144) -> (i32)  : i32 {
            %mul3A_164 = arith.constant 16 : i32
            %mul3A_165 = arith.muli %scan3A_162, %mul3A_164 : i32
            %add3A_166 = vector.broadcast %mul3A_165 : i32 to vector<16xi32>
            %add3A_167 = arith.addi %add3A_166, %iota3A : vector<16xi32>
            %broadcast_in_dim3A_168 = vector.broadcast %scan3A_142 : i32 to vector<16xi32>
            %gather3A_169 = tpu.vector_load_idx %arg13[%add3A_167, %broadcast_in_dim3A_168] : memref<256x32xf32, #tpu.memory_space<vmem>>[vector<16xi32>, vector<16xi32>], vector<16xf32>,
            %mul3A_170 = arith.constant 16 : i32
            %mul3A_171 = arith.muli %scan3A_162, %mul3A_170 : i32
            %get3A = arith.index_cast %mul3A_171 : i32 to index
            %get3A_172 = tpu.vector_load %arg15[%get3A] {strides = array<i32>} : memref<256xf32, #tpu.memory_space<vmem>>, vector<16xf32>,
            %mul3A_173 = arith.mulf %gather3A_169, %get3A_172 : vector<16xf32>
            %mul3A_174 = arith.constant 16 : i32
            %mul3A_175 = arith.muli %scan3A_162, %mul3A_174 : i32
            %swap3A_176 = arith.index_cast %scan3A_142 : i32 to index
            %swap3A_177 = arith.index_cast %mul3A_175 : i32 to index
            %swap3A_178 = tpu.vector_load %arg16[%swap3A_176, %swap3A_177] {strides = array<i32>} : memref<32x256xf32, #tpu.memory_space<vmem>>, vector<16xf32>,
            tpu.vector_store %arg16[%swap3A_176, %swap3A_177], %mul3A_173 {strides = array<i32>} : memref<32x256xf32, #tpu.memory_space<vmem>>, vector<16xf32>,
            %scan3A_179 = arith.constant 0 : i32
            scf.yield %scan3A_179 : i32
          }
          %scan3A_150 = arith.constant 16 : i32
          %mul3A_151 = arith.constant 65536 : i32
          %mul3A_152 = arith.muli %scan3A_142, %mul3A_151 : i32
          %add3A_153 = arith.addi %add3A_119, %mul3A_152 : i32
          %dma_start3A = arith.constant 0 : i32
          %dma_start3A_154 = tpu.memref_slice %arg16[%scan3A_142, %dma_start3A] : memref<32x256xf32, #tpu.memory_space<vmem>> -> memref<1x256xf32, #tpu.memory_space<vmem>>
          %dma_start3A_155 = tpu.memref_squeeze %dma_start3A_154 : memref<1x256xf32, #tpu.memory_space<vmem>> -> memref<256xf32, #tpu.memory_space<vmem>>
          %dma_start3A_156 = tpu.memref_slice %arg5[%add3A_153] : memref<16777216xf32, #tpu.memory_space<hbm>> -> memref<256xf32, #tpu.memory_space<hbm>>
          %dma_start3A_157 = tpu.memref_slice %arg5[%add3A_153] : memref<16777216xf32, #tpu.memory_space<hbm>> -> memref<256xf32, #tpu.memory_space<hbm>>
          %dma_start3A_158 = arith.constant 0 : i32
          %dma_start3A_159 = tpu.memref_slice %arg16[%scan3A_142, %dma_start3A_158] : memref<32x256xf32, #tpu.memory_space<vmem>> -> memref<1x256xf32, #tpu.memory_space<vmem>>
          %dma_start3A_160 = tpu.memref_squeeze %dma_start3A_159 : memref<1x256xf32, #tpu.memory_space<vmem>> -> memref<256xf32, #tpu.memory_space<vmem>>
          tpu.enqueue_dma source(%dma_start3A_160 : memref<256xf32, #tpu.memory_space<vmem>>) target(%dma_start3A_157 : memref<256xf32, #tpu.memory_space<hbm>>) target_semaphore(%arg22 : memref<!tpu.dma_semaphore, #tpu.memory_space<semaphore_mem>>)
          %scan3A_161 = arith.constant 0 : i32
          scf.yield %scan3A_161 : i32
        }
        %scan3A_126 = arith.constant 32 : i32
        %scan3A_127 = arith.constant 0 : i32
        %scan3A_128 = arith.constant 0 : i32
        %scan3A_129 = arith.constant 32 : i32
        %scan3A_130 = arith.addi %scan3A_128, %scan3A_129 : i32
        %scan3A_131 = arith.constant 1 : i32
        %scan3A_132 = scf.for %scan3A_142 = %scan3A_128 to %scan3A_130 step %scan3A_131 iter_args(%scan3A_143 = %scan3A_127) -> (i32)  : i32 {
          %mul3A_144 = arith.constant 65536 : i32
          %mul3A_145 = arith.muli %scan3A_142, %mul3A_144 : i32
          %add3A_146 = arith.addi %add3A_119, %mul3A_145 : i32
          %dma_wait3A = arith.constant 0 : i32
          %dma_wait3A_147 = tpu.memref_slice %arg16[%scan3A_142, %dma_wait3A] : memref<32x256xf32, #tpu.memory_space<vmem>> -> memref<1x256xf32, #tpu.memory_space<vmem>>
          %dma_wait3A_148 = tpu.memref_squeeze %dma_wait3A_147 : memref<1x256xf32, #tpu.memory_space<vmem>> -> memref<256xf32, #tpu.memory_space<vmem>>
          %dma_wait3A_149 = tpu.memref_slice %arg5[%add3A_146] : memref<16777216xf32, #tpu.memory_space<hbm>> -> memref<256xf32, #tpu.memory_space<hbm>>
          %dma_wait3A_150 = tpu.memref_slice %arg5[%add3A_146] : memref<16777216xf32, #tpu.memory_space<hbm>> -> memref<256xf32, #tpu.memory_space<hbm>>
          %dma_wait3A_151 = arith.constant 0 : i32
          %dma_wait3A_152 = tpu.memref_slice %arg16[%scan3A_142, %dma_wait3A_151] : memref<32x256xf32, #tpu.memory_space<vmem>> -> memref<1x256xf32, #tpu.memory_space<vmem>>
          %dma_wait3A_153 = tpu.memref_squeeze %dma_wait3A_152 : memref<1x256xf32, #tpu.memory_space<vmem>> -> memref<256xf32, #tpu.memory_space<vmem>>
          tpu.wait_dma2 semaphore(%arg22 : memref<!tpu.dma_semaphore, #tpu.memory_space<semaphore_mem>>) src(%dma_wait3A_153 : memref<256xf32, #tpu.memory_space<vmem>>) dst(%dma_wait3A_150 : memref<256xf32, #tpu.memory_space<hbm>>)
          %scan3A_154 = arith.constant 0 : i32
          scf.yield %scan3A_154 : i32
        }
        %scan3A_133 = arith.constant 32 : i32
        %scan3A_134 = arith.constant 0 : i32
        %scan3A_135 = arith.constant 0 : i32
        %scan3A_136 = arith.constant 2 : i32
        %scan3A_137 = arith.addi %scan3A_135, %scan3A_136 : i32
        %scan3A_138 = arith.constant 1 : i32
        %scan3A_139 = scf.for %scan3A_142 = %scan3A_135 to %scan3A_137 step %scan3A_138 iter_args(%scan3A_143 = %scan3A_134) -> (i32)  : i32 {
          %mul3A_144 = arith.constant 128 : i32
          %mul3A_145 = arith.muli %scan3A_142, %mul3A_144 : i32
          %add3A_146 = arith.addi %add3A_97, %mul3A_145 : i32
          "tpu.region"() ({
            %run_scoped3A = tpu.sem_alloc : memref<!tpu.dma_semaphore, #tpu.memory_space<semaphore_mem>>
            %dma_start3A = arith.constant 0 : i32
            %dma_start3A_151 = tpu.memref_slice %arg19[%add3A_146, %dma_start3A] : memref<32776x32xf32, #tpu.memory_space<vmem_shared>> -> memref<128x32xf32, #tpu.memory_space<vmem_shared>>
            %dma_start3A_152 = arith.constant 0 : i32
            %dma_start3A_153 = tpu.memref_slice %arg19[%add3A_146, %dma_start3A_152] : memref<32776x32xf32, #tpu.memory_space<vmem_shared>> -> memref<128x32xf32, #tpu.memory_space<vmem_shared>>
            tpu.enqueue_dma source(%arg17 : memref<128x32xf32, #tpu.memory_space<vmem>>) target(%dma_start3A_153 : memref<128x32xf32, #tpu.memory_space<vmem_shared>>) target_semaphore(%run_scoped3A : memref<!tpu.dma_semaphore, #tpu.memory_space<semaphore_mem>>)
            %dma_wait3A = arith.constant 0 : i32
            %dma_wait3A_154 = tpu.memref_slice %arg19[%add3A_146, %dma_wait3A] : memref<32776x32xf32, #tpu.memory_space<vmem_shared>> -> memref<128x32xf32, #tpu.memory_space<vmem_shared>>
            %dma_wait3A_155 = arith.constant 0 : i32
            %dma_wait3A_156 = tpu.memref_slice %arg19[%add3A_146, %dma_wait3A_155] : memref<32776x32xf32, #tpu.memory_space<vmem_shared>> -> memref<128x32xf32, #tpu.memory_space<vmem_shared>>
            tpu.wait_dma2 semaphore(%run_scoped3A : memref<!tpu.dma_semaphore, #tpu.memory_space<semaphore_mem>>) src(%arg17 : memref<128x32xf32, #tpu.memory_space<vmem>>) dst(%dma_wait3A_156 : memref<128x32xf32, #tpu.memory_space<vmem_shared>>)
            tpu.yield
          }) : () -> ()
          %mul3A_147 = arith.constant 128 : i32
          %mul3A_148 = arith.muli %scan3A_142, %mul3A_147 : i32
          %add3A_149 = arith.addi %add3A_97, %mul3A_148 : i32
          "tpu.region"() ({
            %run_scoped3A = tpu.sem_alloc : memref<!tpu.dma_semaphore, #tpu.memory_space<semaphore_mem>>
            %dma_start3A = tpu.memref_slice %arg20[%add3A_149] : memref<32776xf32, #tpu.memory_space<vmem_shared>> -> memref<128xf32, #tpu.memory_space<vmem_shared>>
            %dma_start3A_151 = tpu.memref_slice %arg20[%add3A_149] : memref<32776xf32, #tpu.memory_space<vmem_shared>> -> memref<128xf32, #tpu.memory_space<vmem_shared>>
            tpu.enqueue_dma source(%arg18 : memref<128xf32, #tpu.memory_space<vmem>>) target(%dma_start3A_151 : memref<128xf32, #tpu.memory_space<vmem_shared>>) target_semaphore(%run_scoped3A : memref<!tpu.dma_semaphore, #tpu.memory_space<semaphore_mem>>)
            %dma_wait3A = tpu.memref_slice %arg20[%add3A_149] : memref<32776xf32, #tpu.memory_space<vmem_shared>> -> memref<128xf32, #tpu.memory_space<vmem_shared>>
            %dma_wait3A_152 = tpu.memref_slice %arg20[%add3A_149] : memref<32776xf32, #tpu.memory_space<vmem_shared>> -> memref<128xf32, #tpu.memory_space<vmem_shared>>
            tpu.wait_dma2 semaphore(%run_scoped3A : memref<!tpu.dma_semaphore, #tpu.memory_space<semaphore_mem>>) src(%arg18 : memref<128xf32, #tpu.memory_space<vmem>>) dst(%dma_wait3A_152 : memref<128xf32, #tpu.memory_space<vmem_shared>>)
            tpu.yield
          }) : () -> ()
          %scan3A_150 = arith.constant 0 : i32
          scf.yield %scan3A_150 : i32
        }
        %scan3A_140 = arith.constant 2 : i32
        %scan3A_141 = arith.constant 0 : i32
        scf.yield %scan3A_141 : i32
      }
      %scan3A_88 = arith.constant 8 : i32
      %barrier3A_89 = arith.constant 0 : index
      tpu.barrier barrier_id(%barrier3A_89)
      %scan3A_90 = arith.constant 0 : i32
      scf.yield %scan3A_90 : i32
    }
    %scan3A_35 = arith.constant 8 : i32
    return
  }
}

module attributes {stable_mosaic.version = 14 : i64} {
  func.func @_lin_body(%arg0: i32, %arg1: memref<8xi32, #tpu.memory_space<smem>>, %arg2: memref<512x512xf32, #tpu.memory_space<vmem>>, %arg3: memref<512x512xf32, #tpu.memory_space<vmem>>, %arg4: memref<512x512xi32, #tpu.memory_space<vmem>>) attributes {dimension_semantics = [#tpu.dimension_semantics<arbitrary>], iteration_bounds = array<i64: 2>, scalar_prefetch = 0 : i64, scratch_operands = 0 : i64, tpu.core_type = #tpu.core_type<tc>, window_params = [{transform_indices = @transform_0, window_bounds = array<i64: 8>}, {transform_indices = @transform_1, window_bounds = array<i64: 512, 512>}, {transform_indices = @transform_2, window_bounds = array<i64: 512, 512>}, {transform_indices = @transform_3, window_bounds = array<i64: 512, 512>}]} {
    %get3A = arith.constant 0 : index
    %get3A_0 = arith.constant 0 : index
    %get3A_1 = vector.load %arg2[%get3A, %get3A_0] : memref<512x512xf32, #tpu.memory_space<vmem>>, vector<512x512xf32>
    %get3A_2 = arith.constant 0 : index
    %get3A_3 = arith.constant 0 : index
    %get3A_4 = vector.load %arg3[%get3A_2, %get3A_3] : memref<512x512xf32, #tpu.memory_space<vmem>>, vector<512x512xf32>
    %mul3A = arith.constant 2.560000e+02 : f32
    %mul3A_5 = vector.broadcast %mul3A : f32 to vector<512x512xf32>
    %mul3A_6 = arith.mulf %get3A_1, %mul3A_5 : vector<512x512xf32>
    %add3A = arith.constant 0x4B000000 : f32
    %add3A_7 = vector.broadcast %add3A : f32 to vector<512x512xf32>
    %add3A_8 = arith.addf %mul3A_6, %add3A_7 : vector<512x512xf32>
    %sub3A = arith.constant 0x4B000000 : f32
    %sub3A_9 = vector.broadcast %sub3A : f32 to vector<512x512xf32>
    %sub3A_10 = arith.subf %add3A_8, %sub3A_9 : vector<512x512xf32>
    %mul3A_11 = arith.constant 2.560000e+02 : f32
    %mul3A_12 = vector.broadcast %mul3A_11 : f32 to vector<512x512xf32>
    %mul3A_13 = arith.mulf %get3A_4, %mul3A_12 : vector<512x512xf32>
    %add3A_14 = arith.constant 0x4B000000 : f32
    %add3A_15 = vector.broadcast %add3A_14 : f32 to vector<512x512xf32>
    %add3A_16 = arith.addf %mul3A_13, %add3A_15 : vector<512x512xf32>
    %sub3A_17 = arith.constant 0x4B000000 : f32
    %sub3A_18 = vector.broadcast %sub3A_17 : f32 to vector<512x512xf32>
    %sub3A_19 = arith.subf %add3A_16, %sub3A_18 : vector<512x512xf32>
    %max3A = arith.constant 0.000000e+00 : f32
    %max3A_20 = vector.broadcast %max3A : f32 to vector<512x512xf32>
    %max3A_21 = arith.maximumf %sub3A_10, %max3A_20 : vector<512x512xf32>
    %min3A = arith.constant 2.550000e+02 : f32
    %min3A_22 = vector.broadcast %min3A : f32 to vector<512x512xf32>
    %min3A_23 = arith.minimumf %max3A_21, %min3A_22 : vector<512x512xf32>
    %convert_element_type3A = arith.fptosi %min3A_23 : vector<512x512xf32> to vector<512x512xi32>
    %max3A_24 = arith.constant 0.000000e+00 : f32
    %max3A_25 = vector.broadcast %max3A_24 : f32 to vector<512x512xf32>
    %max3A_26 = arith.maximumf %sub3A_19, %max3A_25 : vector<512x512xf32>
    %min3A_27 = arith.constant 2.550000e+02 : f32
    %min3A_28 = vector.broadcast %min3A_27 : f32 to vector<512x512xf32>
    %min3A_29 = arith.minimumf %max3A_26, %min3A_28 : vector<512x512xf32>
    %convert_element_type3A_30 = arith.fptosi %min3A_29 : vector<512x512xf32> to vector<512x512xi32>
    %iota3A = tpu.iota {dimensions = array<i32: 0>} : vector<512x512xi32>
    %iota3A_31 = tpu.iota {dimensions = array<i32: 1>} : vector<512x512xi32>
    %mul3A_32 = arith.constant 512 : i32
    %mul3A_33 = arith.muli %arg0, %mul3A_32 : i32
    %add3A_34 = vector.broadcast %mul3A_33 : i32 to vector<512x512xi32>
    %add3A_35 = arith.addi %add3A_34, %iota3A : vector<512x512xi32>
    %mul3A_36 = arith.constant 512 : i32
    %mul3A_37 = vector.broadcast %mul3A_36 : i32 to vector<512x512xi32>
    %mul3A_38 = arith.muli %add3A_35, %mul3A_37 : vector<512x512xi32>
    %add3A_39 = arith.addi %mul3A_38, %iota3A_31 : vector<512x512xi32>
    %broadcast_in_dim3A = arith.constant 0 : i32
    %broadcast_in_dim3A_40 = vector.broadcast %broadcast_in_dim3A : i32 to vector<512x512xi32>
    %get3A_41 = arith.constant 0 : index
    %get3A_42 = memref.load %arg1[%get3A_41] : memref<8xi32, #tpu.memory_space<smem>>
    %ge3A = vector.broadcast %get3A_42 : i32 to vector<512x512xi32>
    %ge3A_43 = arith.cmpi sge, %add3A_39, %ge3A : vector<512x512xi32>
    %jit3A = arith.constant 1 : i32
    %jit3A_44 = arith.constant 0 : i32
    %broadcast_in_dim3A_45 = vector.broadcast %jit3A : i32 to vector<512x512xi32>
    %broadcast_in_dim3A_46 = vector.broadcast %jit3A_44 : i32 to vector<512x512xi32>
    %select_n3A = arith.select %ge3A_43, %broadcast_in_dim3A_45, %broadcast_in_dim3A_46 : vector<512x512xi1>, vector<512x512xi32>
    %add3A_47 = arith.addi %broadcast_in_dim3A_40, %select_n3A : vector<512x512xi32>
    %get3A_48 = arith.constant 1 : index
    %get3A_49 = memref.load %arg1[%get3A_48] : memref<8xi32, #tpu.memory_space<smem>>
    %ge3A_50 = vector.broadcast %get3A_49 : i32 to vector<512x512xi32>
    %ge3A_51 = arith.cmpi sge, %add3A_39, %ge3A_50 : vector<512x512xi32>
    %jit3A_52 = arith.constant 1 : i32
    %jit3A_53 = arith.constant 0 : i32
    %broadcast_in_dim3A_54 = vector.broadcast %jit3A_52 : i32 to vector<512x512xi32>
    %broadcast_in_dim3A_55 = vector.broadcast %jit3A_53 : i32 to vector<512x512xi32>
    %select_n3A_56 = arith.select %ge3A_51, %broadcast_in_dim3A_54, %broadcast_in_dim3A_55 : vector<512x512xi1>, vector<512x512xi32>
    %add3A_57 = arith.addi %add3A_47, %select_n3A_56 : vector<512x512xi32>
    %get3A_58 = arith.constant 2 : index
    %get3A_59 = memref.load %arg1[%get3A_58] : memref<8xi32, #tpu.memory_space<smem>>
    %ge3A_60 = vector.broadcast %get3A_59 : i32 to vector<512x512xi32>
    %ge3A_61 = arith.cmpi sge, %add3A_39, %ge3A_60 : vector<512x512xi32>
    %jit3A_62 = arith.constant 1 : i32
    %jit3A_63 = arith.constant 0 : i32
    %broadcast_in_dim3A_64 = vector.broadcast %jit3A_62 : i32 to vector<512x512xi32>
    %broadcast_in_dim3A_65 = vector.broadcast %jit3A_63 : i32 to vector<512x512xi32>
    %select_n3A_66 = arith.select %ge3A_61, %broadcast_in_dim3A_64, %broadcast_in_dim3A_65 : vector<512x512xi1>, vector<512x512xi32>
    %add3A_67 = arith.addi %add3A_57, %select_n3A_66 : vector<512x512xi32>
    %get3A_68 = arith.constant 3 : index
    %get3A_69 = memref.load %arg1[%get3A_68] : memref<8xi32, #tpu.memory_space<smem>>
    %ge3A_70 = vector.broadcast %get3A_69 : i32 to vector<512x512xi32>
    %ge3A_71 = arith.cmpi sge, %add3A_39, %ge3A_70 : vector<512x512xi32>
    %jit3A_72 = arith.constant 1 : i32
    %jit3A_73 = arith.constant 0 : i32
    %broadcast_in_dim3A_74 = vector.broadcast %jit3A_72 : i32 to vector<512x512xi32>
    %broadcast_in_dim3A_75 = vector.broadcast %jit3A_73 : i32 to vector<512x512xi32>
    %select_n3A_76 = arith.select %ge3A_71, %broadcast_in_dim3A_74, %broadcast_in_dim3A_75 : vector<512x512xi1>, vector<512x512xi32>
    %add3A_77 = arith.addi %add3A_67, %select_n3A_76 : vector<512x512xi32>
    %get3A_78 = arith.constant 4 : index
    %get3A_79 = memref.load %arg1[%get3A_78] : memref<8xi32, #tpu.memory_space<smem>>
    %ge3A_80 = vector.broadcast %get3A_79 : i32 to vector<512x512xi32>
    %ge3A_81 = arith.cmpi sge, %add3A_39, %ge3A_80 : vector<512x512xi32>
    %jit3A_82 = arith.constant 1 : i32
    %jit3A_83 = arith.constant 0 : i32
    %broadcast_in_dim3A_84 = vector.broadcast %jit3A_82 : i32 to vector<512x512xi32>
    %broadcast_in_dim3A_85 = vector.broadcast %jit3A_83 : i32 to vector<512x512xi32>
    %select_n3A_86 = arith.select %ge3A_81, %broadcast_in_dim3A_84, %broadcast_in_dim3A_85 : vector<512x512xi1>, vector<512x512xi32>
    %add3A_87 = arith.addi %add3A_77, %select_n3A_86 : vector<512x512xi32>
    %get3A_88 = arith.constant 5 : index
    %get3A_89 = memref.load %arg1[%get3A_88] : memref<8xi32, #tpu.memory_space<smem>>
    %ge3A_90 = vector.broadcast %get3A_89 : i32 to vector<512x512xi32>
    %ge3A_91 = arith.cmpi sge, %add3A_39, %ge3A_90 : vector<512x512xi32>
    %jit3A_92 = arith.constant 1 : i32
    %jit3A_93 = arith.constant 0 : i32
    %broadcast_in_dim3A_94 = vector.broadcast %jit3A_92 : i32 to vector<512x512xi32>
    %broadcast_in_dim3A_95 = vector.broadcast %jit3A_93 : i32 to vector<512x512xi32>
    %select_n3A_96 = arith.select %ge3A_91, %broadcast_in_dim3A_94, %broadcast_in_dim3A_95 : vector<512x512xi1>, vector<512x512xi32>
    %add3A_97 = arith.addi %add3A_87, %select_n3A_96 : vector<512x512xi32>
    %get3A_98 = arith.constant 6 : index
    %get3A_99 = memref.load %arg1[%get3A_98] : memref<8xi32, #tpu.memory_space<smem>>
    %ge3A_100 = vector.broadcast %get3A_99 : i32 to vector<512x512xi32>
    %ge3A_101 = arith.cmpi sge, %add3A_39, %ge3A_100 : vector<512x512xi32>
    %jit3A_102 = arith.constant 1 : i32
    %jit3A_103 = arith.constant 0 : i32
    %broadcast_in_dim3A_104 = vector.broadcast %jit3A_102 : i32 to vector<512x512xi32>
    %broadcast_in_dim3A_105 = vector.broadcast %jit3A_103 : i32 to vector<512x512xi32>
    %select_n3A_106 = arith.select %ge3A_101, %broadcast_in_dim3A_104, %broadcast_in_dim3A_105 : vector<512x512xi1>, vector<512x512xi32>
    %add3A_107 = arith.addi %add3A_97, %select_n3A_106 : vector<512x512xi32>
    %mul3A_108 = arith.constant 65536 : i32
    %mul3A_109 = vector.broadcast %mul3A_108 : i32 to vector<512x512xi32>
    %mul3A_110 = arith.muli %add3A_107, %mul3A_109 : vector<512x512xi32>
    %mul3A_111 = arith.constant 256 : i32
    %mul3A_112 = vector.broadcast %mul3A_111 : i32 to vector<512x512xi32>
    %mul3A_113 = arith.muli %convert_element_type3A_30, %mul3A_112 : vector<512x512xi32>
    %add3A_114 = arith.addi %mul3A_110, %mul3A_113 : vector<512x512xi32>
    %add3A_115 = arith.addi %add3A_114, %convert_element_type3A : vector<512x512xi32>
    %swap3A = arith.constant 0 : index
    %swap3A_116 = arith.constant 0 : index
    %swap3A_117 = vector.load %arg4[%swap3A, %swap3A_116] : memref<512x512xi32, #tpu.memory_space<vmem>>, vector<512x512xi32>
    tpu.vector_store %arg4[%swap3A, %swap3A_116], %add3A_115 {strides = array<i32>} : memref<512x512xi32, #tpu.memory_space<vmem>>, vector<512x512xi32>,
    return
  }
  func.func @transform_0(%arg0: i32) -> i32 {
    %c0_i32 = arith.constant 0 : i32
    %c0_i32_0 = arith.constant 0 : i32
    return %c0_i32 : i32
  }
  func.func @transform_1(%arg0: i32) -> (i32, i32) {
    %c0_i32 = arith.constant 0 : i32
    %c0_i32_0 = arith.constant 0 : i32
    return %arg0, %c0_i32 : i32, i32
  }
  func.func @transform_2(%arg0: i32) -> (i32, i32) {
    %c0_i32 = arith.constant 0 : i32
    %c0_i32_0 = arith.constant 0 : i32
    return %arg0, %c0_i32 : i32, i32
  }
  func.func @transform_3(%arg0: i32) -> (i32, i32) {
    %c0_i32 = arith.constant 0 : i32
    %c0_i32_0 = arith.constant 0 : i32
    return %arg0, %c0_i32 : i32, i32
  }
}

</mosaic_0001>

<sc_bundles>
// kernel: kernel.4.cloned.1.call-start
scs
__scs_entry_jumppad:
0x0: {  	(pc) =	sbr.rel $0x88, $3  }
0x1: {  	(tag) =	ssettag $0x0;
	lr =	simm.s32 $0x1  }
0x2: {  	[smem:$0x3F9E] =	sst lr;
	_ =	strace $0xD0000000  }
0x3: {  	_ = 	snop  }
0x4: {  	_ = 	snop  }
0x5: {  	_ = 	snop  }
0x6: {  	_ = 	snop  }
0x7: {  	_ = 	snop  }
__scs_overlays_trampoline_lowered:
0x8: {  	[smem:$0x3FAD] =	sst s0  }
0x9: {  	[smem:$0x3FAE] =	sst s1  }
0xa: {  	[smem:$0x3FAF] =	sst s2  }
0xb: {  	[smem:$0x3FB0] =	sst s3  }
0xc: {  	[smem:$0x3FB1] =	sst s4  }
0xd: {  	[smem:$0x3FB2] =	sst s5  }
0xe: {  	[smem:$0x3FB3] =	sst s6  }
0xf: {  	[smem:$0x3FB4] =	sst s7  }
0x10: {  	[smem:$0x3FB5] =	sst s8  }
0x11: {  	[smem:$0x3FB6] =	sst s9;
	s0 =	simm.s32 @!p0 $0x0  }
0x12: {  	s1 =	sld [smem:$0x3F9C];
	s0 =	simm.s32 @p0 $0x1  }
0x13: {  	[smem:$0x3FB7] =	sst s0;
	s0 =	simm.s32 @!p1 $0x0  }
0x14: {  	s2 =	sld [smem:$0x3F9B];
	s0 =	simm.s32 @p1 $0x1  }
0x15: {  	[smem:$0x3FB8] =	sst s0;
	s0 =	simm.s32 @!p2 $0x0  }
0x16: {  	s3 =	sld [smem:$0x3FDB];
	s0 =	simm.s32 @p2 $0x1  }
0x17: {  	s4 =	simm.s32 $0x1BF5;
	[smem:$0x3FBA] =	sst s0  }
0x18: {  	s0 =	sld [smem:$0x3F9D];
	_ =	swait.ge [sflag:s4], $0x0  }
0x19: {  	s7 =	sld [smem:$0x3F9E]  }
0x1a: {  	s8 =	sadd.s32 $0xFFFFE003, lr  }
0x1b: {  	s9 =	sadd.s32 $0xFFFFFEF7, lr;
	s5 =	simm.s32 $0xFFFFFFFF;
	p2 =	slt.u32 s8, $0xFFFFF086  }
0x1c: {  	p1 =	slt.u32 s9, $0xF7A;
	s5 =	simm.s32 @!p2 $0x0  }
0x1d: {  	s5 =	simm.s32 @p1 $0x1;
	p0 =	seq.s32 s7, s2  }
0x1e: {  	s7 =	smul.u32 @!p0 $0xF7A, s2;
	p2 =	seq.s32 @!p0 s5, $0x0  }
0x1f: {  	s9 =	smul.u32 $0xF7A, s1;
	s8 =	simm.s32 @!p0 $0x1BF5;
	p2 =	por !p2, p0  }
0x20: {  	[sflag:s8] =	ssyncset.s32 @!p0 $0xFFFFF086;
	s6 =	sadd.s32 @!p0 s3, s7;
	s7 =	simm.s32 @!p0 $0x108  }
0x21: {  	s3 =	sadd.s32 s3, s9;
	s6 =	sadd.s32 @!p0 $0x88, s6;
	s7 =	simm.s32 @p2 $0x1082  }
0x22: {  	[simem:s7], [sflag:s8] =	dma.local @!p0 [hbm:s6], $0xF7A  }
0x23: {  	s9 =	sor.u32 $0xD0000000, s2;
	s6 =	simm.s32 $0x108;
	_ =	swait.ge @!p0 [sflag:s8], $0x0  }
0x24: {  	s3 =	sadd.s32 $0x88, s3;
	s6 =	simm.s32 @!p1 $0x1082;
	[sflag:s4] =	ssyncset.s32 $0xFFFFF086  }
0x25: {  	[simem:s6], [sflag:s4] =	dma.local [hbm:s3], $0xF7A  }
0x26: {  	[smem:$0x3F9E] =	sst s1;
	(tag) =	ssettag s2;
	_ =	strace s9  }
0x27: {  	s1 =	sld [smem:$0x3FAE]  }
0x28: {  	s2 =	sld [smem:$0x3FAF]  }
0x29: {  	s4 =	sld [smem:$0x3FB1]  }
0x2a: {  	p0 =	seq.s32 s5, $0x0;
	s5 =	sld [smem:$0x3FB2]  }
0x2b: {  	s6 =	sld [smem:$0x3FB3]  }
0x2c: {  	s7 =	sld [smem:$0x3FB4]  }
0x2d: {  	s3 =	simm.s32 $0x108;
	s8 =	sld [smem:$0x3FB5]  }
0x2e: {  	s3 =	simm.s32 @!p0 $0x1082;
	s9 =	sld [smem:$0x3FB6]  }
0x2f: {  	lr =	sadd.s32 s0, s3;
	s0 =	sld [smem:$0x3FAD]  }
0x30: {  	s3 =	sld [smem:$0x3FB0]  }
0x31: {  	[smem:$0x3FB9] =	sst s10  }
0x32: {  	s10 =	sld [smem:$0x3FB7];
	_ =	sdelay $0x3  }
0x33: {  	p0 =	seq.s32 s10, $0x1;
	s10 =	sld [smem:$0x3FB9];
	_ =	sdelay $0x3  }
0x34: {  	[smem:$0x3FB9] =	sst s10  }
0x35: {  	s10 =	sld [smem:$0x3FB8];
	_ =	sdelay $0x3  }
0x36: {  	p1 =	seq.s32 s10, $0x1;
	s10 =	sld [smem:$0x3FB9];
	_ =	sdelay $0x3  }
0x37: {  	[smem:$0x3FB9] =	sst s10  }
0x38: {  	s10 =	sld [smem:$0x3FBA]  }
0x39: {  	_ = 	snop;
	(pc) =	sbr.ind lr, $3  }
0x3a: {  	_ = 	snop  }
0x3b: {  	_ = 	snop  }
0x3c: {  	p2 =	seq.s32 s10, $0x1;
	s10 =	sld [smem:$0x3FB9]  }
0x3d: {  	_ =	shalt  }
0x3e: {  	_ =	shalt  }
0x3f: {  	_ =	shalt  }
0x40: {  	_ =	shalt  }
0x41: {  	_ =	shalt  }
0x42: {  	_ =	shalt  }
0x43: {  	_ =	shalt  }
0x44: {  	_ =	shalt  }
0x45: {  	_ =	shalt  }
0x46: {  	_ =	shalt  }
0x47: {  	_ =	shalt  }
0x48: {  	_ =	shalt  }
0x49: {  	_ =	shalt  }
0x4a: {  	_ =	shalt  }
0x4b: {  	_ =	shalt  }
0x4c: {  	_ =	shalt  }
0x4d: {  	_ =	shalt  }
0x4e: {  	_ =	shalt  }
0x4f: {  	_ =	shalt  }
0x50: {  	_ =	shalt  }
0x51: {  	_ =	shalt  }
0x52: {  	_ =	shalt  }
0x53: {  	_ =	shalt  }
0x54: {  	_ =	shalt  }
0x55: {  	_ =	shalt  }
0x56: {  	_ =	shalt  }
0x57: {  	_ =	shalt  }
0x58: {  	_ =	shalt  }
0x59: {  	_ =	shalt  }
0x5a: {  	_ =	shalt  }
0x5b: {  	_ =	shalt  }
0x5c: {  	_ =	shalt  }
0x5d: {  	_ =	shalt  }
0x5e: {  	_ =	shalt  }
0x5f: {  	_ =	shalt  }
0x60: {  	_ =	shalt  }
0x61: {  	_ =	shalt  }
0x62: {  	_ =	shalt  }
0x63: {  	_ =	shalt  }
0x64: {  	_ =	shalt  }
0x65: {  	_ =	shalt  }
0x66: {  	_ =	shalt  }
0x67: {  	_ =	shalt  }
0x68: {  	_ =	shalt  }
0x69: {  	_ =	shalt  }
0x6a: {  	_ =	shalt  }
0x6b: {  	_ =	shalt  }
0x6c: {  	_ =	shalt  }
0x6d: {  	_ =	shalt  }
0x6e: {  	_ =	shalt  }
0x6f: {  	_ =	shalt  }
0x70: {  	_ =	shalt  }
0x71: {  	_ =	shalt  }
0x72: {  	_ =	shalt  }
0x73: {  	_ =	shalt  }
0x74: {  	_ =	shalt  }
0x75: {  	_ =	shalt  }
0x76: {  	_ =	shalt  }
0x77: {  	_ =	shalt  }
0x78: {  	_ =	shalt  }
0x79: {  	_ =	shalt  }
0x7a: {  	_ =	shalt  }
0x7b: {  	_ =	shalt  }
0x7c: {  	_ =	shalt  }
0x7d: {  	_ =	shalt  }
0x7e: {  	_ =	shalt  }
0x7f: {  	_ =	shalt  }
0x80: {  	_ =	shalt  }
0x81: {  	_ =	shalt  }
0x82: {  	_ =	shalt  }
0x83: {  	_ =	shalt  }
0x84: {  	_ =	shalt  }
0x85: {  	_ =	shalt  }
0x86: {  	_ =	shalt  }
0x87: {  	_ =	shalt  }
.Lfunc_end0:
.L_simem_size_0:
called_computation_lowered:
.L_overlay_start_0:
0x88: {  	s2 =	sld [smem:$0x3FD9]  }
0x89: {  	s3 =	sld [smem:$0x3FFE];
	_ =	sdelay $0x1  }
0x8a: {  	s1 =	srdreg.scid  }
0x8b: {  	s0 =	sand.u32 $0x1, s1  }
0x8c: {  	s17 =	sshll.u32 s0, $0xA;
	s2 =	sadd.s32 s3, s2  }
0x8d: {  	s2 =	sadd.s32 s2, s17  }
0x8e: {  	[smem:$0x3FC5] =	sst s2  }
0x8f: {  	_ = 	snop  }
0x90: {  	s2 =	sld [smem:$0x3FC7]  }
0x91: {  	s18 =	sld [smem:$0x3FD0];
	(tm) =	ssettm $0x1  }
0x92: {  	s4 =	sld [smem:$0x3FFB];
	_ =	sdelay $0x3  }
0x93: {  	_ =	strace s4  }
0x94: {  	s4 =	sld [smem:$0x3FFC];
	_ =	sdelay $0x3  }
0x95: {  	_ =	strace s4  }
0x96: {  	s4 =	sld [smem:$0x3FFD];
	_ =	sdelay $0x3  }
0x97: {  	_ =	strace s4  }
0x98: {  	_ =	strace $0x8FFFFFFF  }
0x99: {  	s19 =	sld [smem:$0x3FDB];
	_ =	sdelay $0x1  }
0x9a: {  	s5 =	simm.s32 $_scs_section_size  }
0x9b: {  	s6 =	simm.s32 $_size__tile_overlayer_lowered;
	s7 =	simm.s32 $_tile_overlayer_lowered  }
0x9c: {  	s22 =	simm.s32 $0x1BFF;
	s21 =	sshll.u32 s7, $0x1;
	s4 =	sadd.s32 s5, s19  }
0x9d: {  	s8 =	simm.s32 $0x0;
	s20 =	sshll.u32 s6, $0x1;
	s6 =	sadd.s32 s21, s4  }
0x9e: {  	[timem:s8], [sflag:s22] =	dma.local [hbm:s6], s20  }
0x9f: {  	_ =	swait.ge [sflag:s22], s20  }
0xa0: {  	s5 =	ssub.s32 $0x0, s20;
	[sflag:s22] =	ssyncset.done $0x0  }
0xa1: {  	[sflag:s22] =	ssyncadd.s32 s5;
	_ =	sdelay $0x1  }
0xa2: {  	s23 =	simm.s32 $0x1B8B  }
0xa3: {  	_ =	swait.ge [sflag:s23], $0x1  }
0xa4: {  	[sflag:s23] =	ssyncset.done $0x0  }
0xa5: {  	s25 =	simm.s32 $0x1B8E;
	s24 =	sld [smem:$0x3FFE];
	[sflag:s23] =	ssyncadd.s32 $0xFFFFFFFF  }
0xa6: {  	s26 =	simm.s32 $execute0_lowered;
	[smem:$0x3FD2] =	sst s25  }
0xa7: {  	s6 =	sshll.u32 s26, $0x1;
	_ =	strace $0x80000046;
	[dreg:$0x1] =	wrdreg $0xFFFFFFFF  }
0xa8: {  	s28 =	simm.s32 $_size_execute0_lowered;
	s4 =	sadd.s32 s4, s6;
	[dreg:$0x0] =	wrdreg $0x0  }
0xa9: {  	s6 =	sshll.u32 s28, $0x1;
	[dreg:$0x2] =	wrdreg s4  }
0xaa: {  	[dreg:$0x3] =	wrdreg s6  }
0xab: {  	[dreg:$0x4] =	wrdreg $0xC0  }
0xac: {  	_ =	task [dreg:s8], $0x5FFFF  }
0xad: {  	[dreg:$0x1] =	wrdreg $0xFFFFFFFF  }
0xae: {  	[dreg:$0x0] =	wrdreg $0x60  }
0xaf: {  	[dreg:$0x2] =	wrdreg s24  }
0xb0: {  	[dreg:$0x3] =	wrdreg s18  }
0xb1: {  	[dreg:$0x4] =	wrdreg s2  }
0xb2: {  	[dreg:$0x5] =	wrdreg $0x96A80  }
0xb3: {  	[dreg:$0x6] =	wrdreg $0x196B80  }
0xb4: {  	[dreg:$0x7] =	wrdreg $0x9  }
0xb5: {  	_ =	task.clear_ibuf [dreg:s8], $0x8FFFF;
	_ =	strace $0x90000046  }
0xb6: {  	s29 =	simm.s32 $0x9;
	_ =	strace $0x80000048  }
0xb7: {  	_ =	swait.ge [sflag:s29], $0x1  }
0xb8: {  	[sflag:s29] =	ssyncadd.s32 $0xFFFFFFFF  }
0xb9: {  	_ =	strace $0x90000048  }
0xba: {  	_ =	sfence  }
0xbb: {  	s30 =	sld [smem:$0x0];
	_ =	sdelay $0x2  }
0xbc: {  	s31 =	sshll.u32 s1, $0xD;
	s1 =	sshrl.u32 s1, $0x2  }
0xbd: {  	s3 =	sand.u32 $0x4000, s31;
	s1 =	sadd.s32 s1, s30  }
0xbe: {  	s0 =	sor.u32 s3, s0;
	s1 =	sshll.u32 s1, $0x11  }
0xbf: {  	s0 =	sor.u32 s1, s0  }
0xc0: {  	s0 =	sadd.s32 $0x8F2B, s0  }
0xc1: {  	[sflag:s0] =	ssyncadd.remote.s32 $0x1  }
0xc2: {  	_ =	sfence.sel $0xFFFF  }
0xc3: {  	[dreg:$0x0] =	wrdreg $0xFFFFFFFF;
	(pc) =	sbr.abs _section_cstart, $3  }
0xc4: {  	[dreg:$0x1] =	wrdreg $0xFFFFFFFF  }
0xc5: {  	_ =	task.clear_ibuf [dreg:s8], $0x2FFFF;
	_ =	strace $0x9FFFFFFF  }
0xc6: {  	(tm) =	ssettm $0x7FFFFFFF  }
0xc7: {  	_ =	shalt  }
tec
execute0_lowered:
.L_overlay_start_1:
0x0: {  	(tag) =	ssettag $0x1  }
0x1: {  	s30 =	rddreg [dreg:$0x0]  }
0x2: {  	s2 =	rddreg [dreg:$0x1]  }
0x3: {  	s4 =	rddreg [dreg:$0x3]  }
0x4: {  	s5 =	rddreg [dreg:$0x4];
	s0 =	srdreg.scid;
	s6 =	simm.s32 $0x0  }
0x5: {  	s7 =	stileid.u32;
	s15 =	simm.s32 $0x3;
	s16 =	simm.s32 $0x8628  }
0x6: {  	s17 =	simm.s32 $0x9628;
	s18 =	simm.s32 $0x4428;
	s20 =	simm.s32 $0x2  }
0x7: {  	s21 =	simm.s32 $0x1010;
	s22 =	simm.s32 $0x100;
	s23 =	simm.s32 $0x2118  }
0x8: {  	s24 =	simm.s32 $0x2318;
	s25 =	simm.s32 $0x1;
	s26 =	simm.s32 $0x2218  }
0x9: {  	s28 =	simm.s32 $0x4318;
	s0 =	sand.u32 $0x1, s0;
	[smem:$0x7FF] =	sst s6  }
0xa: {  	s8 =	sadd.s32 $0x10000, s30;
	s31 =	sshll.u32 s7, $0x10;
	s1 =	ssub.s32 $0x2, s0  }
0xb: {  	_ =	strace $0x80000047;
	s0 =	sshll.u32 s0, $0x3;
	s3 =	sshrl.u32 s1, $0x1  }
0xc: {  	v0 =	vimm.f32 $1.000000000e+00;
	[dreg:$0x6] =	wrdreg s0;
	s0 =	sadd.s32 s31, s4;
	s1 =	ssub.s32 s1, s3  }
0xd: {  	v1 =	vimm.f32 $0.0e+00;
	v2 =	vimm.s32 $0x7FFFFFF;
	v3 =	vlaneseq.u32;
	s9 =	sshll.u32 s7, $0xB;
	[dreg:$0x8] =	wrdreg s0;
	s1 =	smax.u32 s1, $0x1  }
0xe: {  	v5 =	vimm.s32 $0x0;
	v6 =	vimm.s32 $0x1000;
	v4 =	vmul.u32 $0x20, v3;
	s12 =	sadd.s32 s9, s5;
	[dreg:$0x7] =	wrdreg s1;
	s1 =	simm.s32 $0x0  }
.LBB2_1:
0xf: {  	[tilespmem:$0x4318] =	vst v0  }
0x10: {  	[tilespmem:$0x4328] =	vst v0  }
0x11: {  	[tilespmem:$0x4338] =	vst v0  }
0x12: {  	[tilespmem:$0x4348] =	vst v0  }
0x13: {  	[tilespmem:$0x4358] =	vst v0  }
0x14: {  	[tilespmem:$0x4368] =	vst v0  }
0x15: {  	[tilespmem:$0x4378] =	vst v0  }
0x16: {  	[tilespmem:$0x4388] =	vst v0  }
0x17: {  	[tilespmem:$0x4398] =	vst v0  }
0x18: {  	[tilespmem:$0x43A8] =	vst v0  }
0x19: {  	[tilespmem:$0x43B8] =	vst v0  }
0x1a: {  	[tilespmem:$0x43C8] =	vst v0  }
0x1b: {  	[tilespmem:$0x43D8] =	vst v0  }
0x1c: {  	[tilespmem:$0x43E8] =	vst v0;
	s0 =	sand.u32 $0x3F80, s6  }
0x1d: {  	[dreg:$0x9] =	wrdreg s1;
	[tilespmem:$0x43F8] =	vst v0;
	s31 =	sand.u32 $0x10, s6;
	s3 =	sshrl.u32 s0, $0x2  }
0x1e: {  	[tilespmem:$0x4408] =	vst v0;
	s1 =	simm.s32 $0x0;
	s0 =	simm.s32 $0x40;
	s3 =	sor.u32 s31, s3  }
.LBB2_2:
0x1f: {  	p0 =	sne.s32 s0, $0x3FC0  }
0x20: {  	[tilespmem:s3+$0x8628] =	vst v1;
	s1 =	sadd.s32 $0x10, s1;
	s3 =	smov.u32 s0;
	s0 =	sadd.s32 $0x40, s0  }
.Ltmp0:
0x21: {  	(pc) =	sbr.rel @p0 .LBB2_2-.Ltmp0, $4  }
0x22: {  	_ = 	snop  }
0x23: {  	s3 =	sand.u32 $0x3F80, s3  }
0x24: {  	s7 =	sand.u32 $0x10, s1;
	s3 =	sshrl.u32 s3, $0x2  }
0x25: {  	s3 =	sor.u32 s7, s3  }
0x26: {  	[tilespmem:s3+$0x8628] =	vst v1  }
0x27: {  	[tilespmem:$0x9628] =	vst v1  }
0x28: {  	[tilespmem:$0x9638] =	vst v1  }
0x29: {  	[tilespmem:$0x9648] =	vst v1  }
0x2a: {  	[tilespmem:$0x9658] =	vst v1  }
0x2b: {  	[tilespmem:$0x9668] =	vst v1  }
0x2c: {  	[tilespmem:$0x9678] =	vst v1  }
0x2d: {  	[tilespmem:$0x9688] =	vst v1  }
0x2e: {  	[tilespmem:$0x9698] =	vst v1  }
0x2f: {  	s0 =	simm.s32 $0x0;
	s1 =	rddreg [dreg:$0x2];
	s29 =	simm.s32 $0x4418;
	[tilespmem:$0x1000] =	vst v2  }
0x30: {  	[tilespmem:s29], [sflag:$0x3] =	stream.linear.gather [hbm4b:s1+s0], $0x8, $0x38;
	[tilespmem:$0x19EC0] =	vst v63  }
0x31: {  	_ =	swait.ge [sflag:s15], $0x8  }
0x32: {  	[sflag:s15] =	ssyncset.done $0x0  }
0x33: {  	s1 =	rddreg [dreg:$0x8];
	[sflag:s15] =	ssyncadd.s32 $0xFFFFFFF8  }
0x34: {  	[spmem:s1] =	stream.linear.scatter [tilespmem:s16], [sflag:$0x3], $0x1000, $0x38;
	[tilespmem:$0x19EC0] =	vst v63  }
0x35: {  	_ =	swait.ge [sflag:s15], $0x1000  }
0x36: {  	[sflag:s15] =	ssyncset.done $0x0  }
0x37: {  	s31 =	sadd.s32 $0x0, s12;
	[sflag:s15] =	ssyncadd.s32 $0xFFFFF000  }
0x38: {  	[spmem:s31] =	stream.linear.scatter [tilespmem:s17], [sflag:$0x3], $0x80, $0x38;
	[tilespmem:$0x19EC0] =	vst v63  }
0x39: {  	_ =	swait.ge [sflag:s15], $0x80  }
0x3a: {  	s0 =	simm.s32 $0x200;
	[sflag:s15] =	ssyncset.done $0x0  }
.LBB2_4:
0x3b: {  	p0 =	sne.s32 s0, $0x1E00;
	[sflag:s15] =	ssyncadd.s32 $0xFFFFFF80;
	s1 =	sadd.s32 $0x1000, s1  }
0x3c: {  	[spmem:s1] =	stream.linear.scatter [tilespmem:s16], [sflag:$0x3], $0x1000, $0x38;
	[tilespmem:$0x19EC0] =	vst v63  }
0x3d: {  	s3 =	smov.u32 s0;
	s0 =	sadd.s32 $0x200, s0;
	_ =	swait.ge [sflag:s15], $0x1000  }
.Ltmp1:
0x3e: {  	s3 =	sshra.s32 s3, $0x2;
	[sflag:s15] =	ssyncset.done $0x0;
	(pc) =	sbr.rel @p0 .LBB2_4-.Ltmp1, $4  }
0x3f: {  	s3 =	sadd.s32 s3, s12;
	[sflag:s15] =	ssyncadd.s32 $0xFFFFF000  }
0x40: {  	[spmem:s3] =	stream.linear.scatter [tilespmem:s17], [sflag:$0x3], $0x80, $0x38;
	[tilespmem:$0x19EC0] =	vst v63  }
0x41: {  	_ =	swait.ge [sflag:s15], $0x80  }
0x42: {  	[sflag:s15] =	ssyncset.done $0x0  }
0x43: {  	[sflag:s15] =	ssyncadd.s32 $0xFFFFFF80  }
0x44: {  	s1 =	simm.s32 $0x0;
	[bflag:$0x0] =	sbarrier.arrive $0xFFFF  }
.LBB2_6:
0x45: {  	s0 =	rddreg [dreg:$0x6]  }
0x46: {  	s0 =	sadd.s32 s0, s1  }
0x47: {  	s7 =	sshrl.u32 s0, $0x1  }
0x48: {  	v7 =	vmov s7  }
0x49: {  	v8 =	vmax.u32 v7, $0x1  }
0x4a: {  	v8 =	vadd.s32 $0xFFFFFFFF, v8;
	_ =	sdelay $0x2  }
0x4b: {  	s29 =	simm.s32 $0x4418  }
0x4c: {  	v7 =	vld.idx.msk [tilespmem:v7+s29+$0x0], $0xffff  }
0x4d: {  	v8 =	vld.idx.msk [tilespmem:v8+s29+$0x0], $0xffff;
	_ =	sdelay $0x3  }
0x4e: {  	(v2sf) =	vpush v7, $0x0  }
0x4f: {  	(v2sf) =	vpush v8, $0x0;
	_ =	sdelay $0xd  }
0x50: {  	s3 =	spop (v2sf)  }
0x51: {  	s31 =	spop (v2sf)  }
0x52: {  	[dreg:$0xa] =	wrdreg s1;
	p0 =	seq.s32 s7, $0x0;
	s1 =	sand.u32 $0xFFFFFFF8, s31  }
0x53: {  	s1 =	simm.s32 @p0 $0x0  }
0x54: {  	s3 =	ssub.s32 s3, s1  }
0x55: {  	s3 =	sadd.s32 $0xFF, s3  }
0x56: {  	[dreg:$0xb] =	wrdreg s7;
	s7 =	sshrl.u32 s3, $0x4  }
0x57: {  	s3 =	sadd.s32 $0xFF0, s7  }
0x58: {  	s3 =	sshrl.u32 s3, $0xC  }
0x59: {  	p0 =	seq.s32 s3, $0x0  }
.Ltmp2:
0x5a: {  	_ = 	snop;
	(pc) =	sbr.rel @p0 .LBB2_16-.Ltmp2, $1  }
0x5b: {  	_ =	sdelay $0x3  }
.Ltmp3:
0x5c: {  	(pc) =	sbr.rel .LBB2_8-.Ltmp3, $3  }
0x5d: {  	s11 =	sand.u32 $0xFFFFFF0, s7;
	s19 =	stileid.u32  }
0x5e: {  	s7 =	smul.u32 s19, s11;
	_ =	sdelay $0x1  }
0x5f: {  	v7 =	vmov s0;
	s31 =	simm.s32 $0x0;
	s29 =	simm.s32 $0x0;
	s13 =	sadd.s32 s1, s7  }
.LBB2_15:
0x60: {  	s29 =	sadd.s32 $0x1, s29  }
0x61: {  	p0 =	sne.s32 s29, s3  }
.Ltmp4:
0x62: {  	_ = 	snop;
	(pc) =	sbr.rel @!p0 .LBB2_16-.Ltmp4, $1  }
0x63: {  	_ =	sdelay $0x3  }
.LBB2_8:
0x64: {  	s0 =	sshll.u32 s29, $0xC  }
0x65: {  	s1 =	sadd.s32 s0, s13  }
0x66: {  	s7 =	sshrl.u32 s1, $0x3  }
0x67: {  	s10 =	smin.u32 s7, $0xFE00  }
0x68: {  	s7 =	sshll.u32 s10, $0x3;
	s10 =	sadd.s32 s30, s10  }
0x69: {  	[tilespmem:s31], [sflag:$0x3] =	stream.linear.gather [hbm4b:s10+s31], $0x1000, $0x38;
	[tilespmem:$0x19EC0] =	vst v63  }
0x6a: {  	_ =	swait.ge [sflag:s15], $0x1000  }
0x6b: {  	[sflag:s15] =	ssyncset.done $0x0  }
0x6c: {  	[sflag:s15] =	ssyncadd.s32 $0xFFFFF000  }
0x6d: {  	v10 =	vld [tilespmem:s31+$0x0];
	_ =	sdelay $0x3  }
0x6e: {  	s0 =	ssub.s32 s11, s0;
	s1 =	ssub.s32 s1, s7  }
0x6f: {  	v11 =	vor.u32 s31, v3;
	s0 =	sadd.s32 s0, s1;
	v8 =	vmov s1;
	v10 =	vshrl.u32 v10, $0xF  }
0x70: {  	v9 =	vmov s0;
	vm1 =	vge.s32 v11, v8;
	vm0 =	veq.s32 v10, v7  }
0x71: {  	vm15 =	vlt.s32 v11, v9;
	vm0 =	vmand vm1, vm0  }
0x72: {  	vm0 =	vmand vm15, vm0  }
0x73: {  	v10 =	vsel vm0, $0x1, v5  }
0x74: {  	(xrf0) =	vadd.scan.msk.s32 $0xffff, v10;
	_ =	sdelay $0x2  }
0x75: {  	v10 =	vmov s31  }
0x76: {  	v10 =	vadd.s32 $0xFFFFFFFF, v10  }
0x77: {  	v10 =	vbroadcast v10, $0x0  }
0x78: {  	v12, _, _ =	vpop (xrf0)  }
0x79: {  	v10 =	vadd.s32 v12, v10;
	(v2sf) =	vpush v12, $0xF  }
0x7a: {  	v10 =	vnsel vm0, $0x1100, v10;
	_ =	sdelay $0x4  }
0x7b: {  	s14 =	simm.s32 $0x10;
	[tilespmem:v10+s21+$0x0] =	vst.idx.msk $0xffff, v11  }
0x7c: {  	s10 =	simm.s32 $0x0;
	s1 =	simm.s32 $0x20;
	s0 =	simm.s32 $0x10;
	v10 =	vld [tilespmem:s14+$0x0]  }
.LBB2_9:
0x7d: {  	p0 =	seq.s32 s1, $0xFF0;
	_ =	sdelay $0x3  }
0x7e: {  	v11 =	vor.u32 s14, v3;
	s14 =	smov.u32 s1;
	v10 =	vshrl.u32 v10, $0xF  }
0x7f: {  	vm1 =	vge.s32 v11, v8;
	vm0 =	veq.s32 v10, v7  }
0x80: {  	vm0 =	vmand vm1, vm0;
	vm1 =	vlt.s32 v11, v9  }
0x81: {  	vm0 =	vmand vm1, vm0;
	s19 =	spop (v2sf)  }
0x82: {  	v10 =	vsel vm0, $0x1, v5;
	s10 =	sadd.s32 s10, s19  }
0x83: {  	v12 =	vmov s10;
	(xrf0) =	vadd.scan.msk.s32 $0xffff, v10  }
0x84: {  	v10 =	vadd.s32 $0xFFFFFFFF, v12  }
0x85: {  	v10 =	vbroadcast v10, $0x0;
	_ =	sdelay $0x3  }
0x86: {  	v12, _, _ =	vpop (xrf0)  }
0x87: {  	v10 =	vadd.s32 v12, v10;
	(v2sf) =	vpush v12, $0xF  }
0x88: {  	v10 =	vnsel vm0, $0x1100, v10;
	_ =	sdelay $0x1  }
.Ltmp5:
0x89: {  	(pc) =	sbr.rel @!p0 .LBB2_9-.Ltmp5, $3  }
0x8a: {  	_ =	sdelay $0x1  }
0x8b: {  	s0 =	sadd.s32 $0x10, s0;
	[tilespmem:v10+s21+$0x0] =	vst.idx.msk $0xffff, v11  }
0x8c: {  	s1 =	sadd.s32 $0x10, s1;
	v10 =	vld [tilespmem:s0+$0x0]  }
0x8d: {  	_ =	sdelay $0x3  }
0x8e: {  	v11 =	vor.u32 s14, v3;
	v10 =	vshrl.u32 v10, $0xF  }
0x8f: {  	vm1 =	vge.s32 v11, v8;
	vm0 =	veq.s32 v10, v7  }
0x90: {  	vm15 =	vlt.s32 v11, v9;
	vm0 =	vmand vm1, vm0  }
0x91: {  	vm0 =	vmand vm15, vm0  }
0x92: {  	v10 =	vsel vm0, $0x1, v5  }
0x93: {  	(xrf0) =	vadd.scan.msk.s32 $0xffff, v10;
	_ =	sdelay $0x5  }
0x94: {  	v10, _, _ =	vpop (xrf0)  }
0x95: {  	(v2sf) =	vpush v10, $0xF;
	_ =	sdelay $0x3  }
0x96: {  	s0 =	spop (v2sf)  }
0x97: {  	s0 =	sadd.s32 s10, s0  }
0x98: {  	v12 =	vmov s0  }
0x99: {  	v12 =	vadd.s32 $0xFFFFFFFF, v12  }
0x9a: {  	v12 =	vbroadcast v12, $0x0;
	_ =	sdelay $0x1  }
0x9b: {  	v10 =	vadd.s32 v10, v12  }
0x9c: {  	v10 =	vnsel vm0, $0x1100, v10;
	_ =	sdelay $0x3  }
0x9d: {  	s1 =	spop (v2sf)  }
0x9e: {  	[tilespmem:v10+s21+$0x0] =	vst.idx.msk $0xffff, v11;
	s0 =	sadd.s32 s0, s1  }
0x9f: {  	[tilespmem:s0+$0x1010] =	vst v6  }
0xa0: {  	[tilespmem:s0+$0x1020] =	vst v6  }
0xa1: {  	[tilespmem:s0+$0x1030] =	vst v6  }
0xa2: {  	[tilespmem:s0+$0x1040] =	vst v6  }
0xa3: {  	[tilespmem:s0+$0x1050] =	vst v6  }
0xa4: {  	[tilespmem:s0+$0x1060] =	vst v6  }
0xa5: {  	[tilespmem:s0+$0x1070] =	vst v6  }
0xa6: {  	[tilespmem:s0+$0x1080] =	vst v6  }
0xa7: {  	[tilespmem:s0+$0x1090] =	vst v6;
	s1 =	sadd.s32 $0xFF, s0  }
0xa8: {  	[tilespmem:s0+$0x10A0] =	vst v6;
	s10 =	sshrl.u32 s1, $0x8  }
0xa9: {  	[tilespmem:s0+$0x10B0] =	vst v6;
	p0 =	seq.s32 s10, $0x0  }
.Ltmp6:
0xaa: {  	[tilespmem:s0+$0x10C0] =	vst v6;
	(pc) =	sbr.rel @p0 .LBB2_15-.Ltmp6, $4  }
0xab: {  	[tilespmem:s0+$0x10D0] =	vst v6  }
0xac: {  	[tilespmem:s0+$0x10E0] =	vst v6  }
0xad: {  	[tilespmem:s0+$0x10F0] =	vst v6  }
0xae: {  	[tilespmem:s0+$0x1100] =	vst v6  }
0xaf: {  	v10 =	vmov s7;
	s7 =	simm.s32 $0x0;
	s14 =	simm.s32 $0x1010  }
.LBB2_12:
0xb0: {  	v11 =	vmov s14;
	_ =	sdelay $0x3  }
0xb1: {  	s1 =	simm.s32 $0x0;
	s0 =	simm.s32 $0x40  }
.LBB2_13:
0xb2: {  	p0 =	sne.s32 s0, $0x3C0;
	v12 =	vld.idx.msk [tilespmem:v11+s1+$0x0 ss:$0x1], $0xffff;
	_ =	sdelay $0x5  }
0xb3: {  	v13 =	vadd.s32 v10, v12  }
0xb4: {  	vm0 =	vlt.s32 v13, $0x7FFFF  }
0xb5: {  	v13 =	vnsel vm0, $0x7FFFF, v13;
	v14 =	vld.idx.msk [tilespmem:v12+s6+$0x0], $0xffff  }
0xb6: {  	[tilespmem:s1+$0x2118] =	vst v13;
	_ =	sdelay $0x4  }
0xb7: {  	v13 =	vshrl.u32 v14, $0xF  }
.Ltmp7:
0xb8: {  	vm1 =	vge.s32 v12, v8;
	vm0 =	veq.s32 v13, v7;
	(pc) =	sbr.rel @p0 .LBB2_13-.Ltmp7, $4  }
0xb9: {  	vm0 =	vmand vm1, vm0;
	vm1 =	vlt.s32 v12, v9  }
0xba: {  	v12 =	vand.u32 $0x7FFF, v14;
	vm0 =	vmand vm1, vm0  }
0xbb: {  	v12 =	vnsel vm0, $0x8000, v12  }
0xbc: {  	[tilespmem:s1+$0x2218] =	vst v12;
	s1 =	sshra.s32 s0, $0x2;
	s0 =	sadd.s32 $0x40, s0  }
0xbd: {  	_ =	sdelay $0x3  }
0xbe: {  	v11 =	vld.idx.msk [tilespmem:v11+s1+$0x0 ss:$0x1], $0xffff;
	_ =	sdelay $0x7  }
0xbf: {  	v12 =	vld.idx.msk [tilespmem:v11+s6+$0x0], $0xffff;
	_ =	sdelay $0x4  }
0xc0: {  	v13 =	vshrl.u32 v12, $0xF  }
0xc1: {  	v63 =	vadd.s32 v10, v11;
	vm1 =	vge.s32 v11, v8;
	vm0 =	veq.s32 v13, v7  }
0xc2: {  	vm2 =	vlt.s32 v11, v9;
	vm15 =	vlt.s32 v63, $0x7FFFF;
	vm0 =	vmand vm1, vm0  }
0xc3: {  	v11 =	vnsel vm15, $0x7FFFF, v63;
	v12 =	vand.u32 $0x7FFF, v12;
	vm0 =	vmand vm2, vm0  }
0xc4: {  	[tilespmem:s1+$0x2118] =	vst v11;
	v11 =	vnsel vm0, $0x8000, v12  }
0xc5: {  	[tilespmem:s1+$0x2218] =	vst v11  }
0xc6: {  	[tilespmem:s24], [sflag:$0x1] =	stream.indirect.gather [hbm4b:s2+s22], $0x20, s23, s22, $0xb8;
	[tilespmem:$0x19EC0] =	vst v63  }
0xc7: {  	_ =	swait.ge [sflag:s25], $0x2000  }
0xc8: {  	[sflag:s25] =	ssyncset.done $0x0  }
0xc9: {  	[sflag:s25] =	ssyncadd.s32 $0xFFFFE000  }
0xca: {  	[spmem:s4] =	stream.indirect.scatter.add.f32 [tilespmem:s24], [sflag:$0x3], $0x20, s26, s22, $0xb8;
	[tilespmem:$0x19EC0] =	vst v63  }
0xcb: {  	_ =	swait.ge [sflag:s15], $0x2000  }
0xcc: {  	s7 =	sadd.s32 $0x1, s7;
	[sflag:s15] =	ssyncset.done $0x0  }
0xcd: {  	p0 =	sne.s32 s7, s10;
	[sflag:s15] =	ssyncadd.s32 $0xFFFFE000  }
0xce: {  	[spmem:s5] =	stream.indirect.scatter.add.f32 [tilespmem:s28], [sflag:$0x3], $0x1, s26, s22, $0xb8;
	[tilespmem:$0x19EC0] =	vst v63  }
.Ltmp8:
0xcf: {  	_ = 	snop;
	(pc) =	sbr.rel @p0 .LBB2_12-.Ltmp8, $4  }
.Ltmp9:
0xd0: {  	_ = 	snop;
	(pc) =	sbr.rel @!p0 .LBB2_15-.Ltmp9, $4  }
0xd1: {  	_ =	swait.ge [sflag:s15], $0x100  }
0xd2: {  	[sflag:s15] =	ssyncset.done $0x0  }
0xd3: {  	s14 =	sadd.s32 $0x100, s14;
	[sflag:s15] =	ssyncadd.s32 $0xFFFFFF00  }
0xd4: {  	_ = 	snop  }
.LBB2_16:
0xd5: {  	s0 =	rddreg [dreg:$0xa]  }
0xd6: {  	s1 =	rddreg [dreg:$0xb];
	s0 =	sshll.u32 s0, $0xF  }
0xd7: {  	s1 =	sshll.u32 s1, $0x15;
	s0 =	sand.u32 $0x8000, s0  }
0xd8: {  	s0 =	sor.u32 s0, s1  }
0xd9: {  	[bflag:$0x0] =	sbarrier.arrive $0xFFFF;
	s31 =	sor.u32 s9, s0;
	s0 =	simm.s32 $0x0  }
.LBB2_17:
0xda: {  	s7 =	sshll.u32 s0, $0x8  }
0xdb: {  	s3 =	sor.u32 s9, s7  }
0xdc: {  	s1 =	sshll.u32 s3, $0x5  }
0xdd: {  	s1 =	sand.u32 $0x3FFFFFE0, s1  }
0xde: {  	s11 =	sadd.s32 s1, s4  }
0xdf: {  	[tilespmem:s18], [sflag:$0x3] =	stream.linear.gather [spmem:s11], $0x2000, $0x38;
	[tilespmem:$0x19EC0] =	vst v63  }
0xe0: {  	_ =	swait.ge [sflag:s15], $0x2000  }
0xe1: {  	[sflag:s15] =	ssyncset.done $0x0  }
0xe2: {  	s29 =	simm.s32 $0x6428;
	s13 =	sadd.s32 s3, s5;
	[sflag:s15] =	ssyncadd.s32 $0xFFFFE000  }
0xe3: {  	[tilespmem:s29], [sflag:$0x3] =	stream.linear.gather [spmem:s13], $0x100, $0x38;
	[tilespmem:$0x19EC0] =	vst v63  }
0xe4: {  	_ =	swait.ge [sflag:s15], $0x100  }
0xe5: {  	[sflag:s15] =	ssyncset.done $0x0  }
0xe6: {  	[sflag:s15] =	ssyncadd.s32 $0xFFFFFF00  }
0xe7: {  	v7 =	vld [tilespmem:$0x6428]  }
0xe8: {  	v8 =	vld [tilespmem:$0x6438]  }
0xe9: {  	v9 =	vld [tilespmem:$0x6448]  }
0xea: {  	v10 =	vld [tilespmem:$0x6458]  }
0xeb: {  	v11 =	vld [tilespmem:$0x6468]  }
0xec: {  	v12 =	vld [tilespmem:$0x6478];
	v7 =	vmax.f32 v7, $1.000000000e+00  }
0xed: {  	(erf) = vrcp.f32 v7;
	v7 =	vmax.f32 v8, $1.000000000e+00;
	v8 =	vld [tilespmem:$0x6488]  }
0xee: {  	v55 =	vld [tilespmem:$0x6498];
	(erf) = vrcp.f32 v7;
	v7 =	vmax.f32 v9, $1.000000000e+00  }
0xef: {  	v56 =	vld [tilespmem:$0x64A8];
	(erf) = vrcp.f32 v7;
	v7 =	vmax.f32 v10, $1.000000000e+00  }
0xf0: {  	v57 =	vld [tilespmem:$0x64B8];
	(erf) = vrcp.f32 v7;
	v7 =	vmax.f32 v11, $1.000000000e+00  }
0xf1: {  	v58 =	vld [tilespmem:$0x64C8];
	(erf) = vrcp.f32 v7;
	v7 =	vmax.f32 v12, $1.000000000e+00  }
0xf2: {  	(erf) = vrcp.f32 v7;
	v7 =	vmax.f32 v8, $1.000000000e+00;
	v8 =	vld [tilespmem:$0x64D8]  }
0xf3: {  	v59 =	vld [tilespmem:$0x64E8];
	(erf) = vrcp.f32 v7;
	v7 =	vmax.f32 v55, $1.000000000e+00  }
0xf4: {  	v60 =	vld [tilespmem:$0x64F8];
	(erf) = vrcp.f32 v7;
	v7 =	vmax.f32 v56, $1.000000000e+00  }
0xf5: {  	v61 =	vld [tilespmem:$0x6508];
	(erf) = vrcp.f32 v7;
	v7 =	vmax.f32 v57, $1.000000000e+00  }
0xf6: {  	v62 =	vld [tilespmem:$0x6518];
	v13 =	vpop (erf);
	(erf) = vrcp.f32 v7;
	v7 =	vmax.f32 v58, $1.000000000e+00  }
0xf7: {  	v63 =	vpop (erf);
	(erf) = vrcp.f32 v7;
	v7 =	vmax.f32 v8, $1.000000000e+00  }
0xf8: {  	[tilespmem:$0x6528] =	vst v13;
	v8 =	vpop (erf);
	(erf) = vrcp.f32 v7;
	v7 =	vmax.f32 v59, $1.000000000e+00  }
0xf9: {  	[tilespmem:$0x6548] =	vst v8;
	v8 =	vpop (erf);
	(erf) = vrcp.f32 v7;
	v7 =	vmax.f32 v60, $1.000000000e+00  }
0xfa: {  	[tilespmem:$0x6558] =	vst v8;
	v8 =	vpop (erf);
	(erf) = vrcp.f32 v7;
	v7 =	vmax.f32 v61, $1.000000000e+00  }
0xfb: {  	[tilespmem:$0x6568] =	vst v8;
	v8 =	vpop (erf);
	(erf) = vrcp.f32 v7;
	v7 =	vmax.f32 v62, $1.000000000e+00  }
0xfc: {  	[tilespmem:$0x6538] =	vst v63  }
0xfd: {  	[tilespmem:$0x6578] =	vst v8;
	v8 =	vpop (erf);
	(erf) = vrcp.f32 v7  }
0xfe: {  	[tilespmem:$0x6588] =	vst v8;
	v7 =	vpop (erf)  }
0xff: {  	v8 =	vpop (erf);
	[tilespmem:$0x6598] =	vst v7  }
0x100: {  	v7 =	vpop (erf);
	[tilespmem:$0x65A8] =	vst v8  }
0x101: {  	v8 =	vpop (erf);
	[tilespmem:$0x65B8] =	vst v7  }
0x102: {  	v7 =	vpop (erf);
	[tilespmem:$0x65C8] =	vst v8  }
0x103: {  	v8 =	vpop (erf);
	[tilespmem:$0x65D8] =	vst v7  }
0x104: {  	v7 =	vpop (erf);
	[tilespmem:$0x65E8] =	vst v8  }
0x105: {  	v8 =	vpop (erf);
	[tilespmem:$0x65F8] =	vst v7  }
0x106: {  	[tilespmem:$0x6608] =	vst v8;
	v7 =	vpop (erf)  }
0x107: {  	s30 =	simm.s32 $0x6628;
	s14 =	simm.s32 $0x0;
	s7 =	sadd.s32 s7, s31;
	[tilespmem:$0x6618] =	vst v7  }
.LBB2_18:
0x108: {  	v7 =	vmov s14;
	s1 =	simm.s32 $0x0  }
0x109: {  	v7 =	vand.u32 $0x1F, v7;
	v8 =	vmov s1  }
0x10a: {  	v7 =	vbroadcast v7, $0x0;
	v8 =	vshll.u32 v8, $0x5  }
0x10b: {  	v8 =	vor.u32 v4, v8  }
0x10c: {  	v8 =	vor.u32 v7, v8;
	_ =	sdelay $0x2  }
0x10d: {  	s19 =	simm.s32 $0x6528  }
0x10e: {  	s10 =	simm.s32 $0x10;
	v10 =	vld [tilespmem:s19+$0x0]  }
0x10f: {  	v9 =	vmov s10;
	v8 =	vld.idx.msk [tilespmem:v8+s18+$0x0], $0xffff  }
0x110: {  	v9 =	vshll.u32 v9, $0x5  }
0x111: {  	v9 =	vor.u32 v4, v9  }
0x112: {  	v9 =	vor.u32 v7, v9;
	_ =	sdelay $0x1  }
0x113: {  	v8 =	vmul.f32 v10, v8;
	_ =	sdelay $0x1  }
0x114: {  	s10 =	sshll.u32 s14, $0x8;
	[tilespmem:s30+$0x0] =	vst v8  }
0x115: {  	s29 =	simm.s32 $0x6538;
	s19 =	simm.s32 $0x20;
	s1 =	sand.u32 $0x3FFFFF00, s10;
	v8 =	vld.idx.msk [tilespmem:v9+s18+$0x0], $0xffff  }
0x116: {  	s10 =	smov.u32 s30;
	s1 =	sadd.s32 $0x6628, s1;
	v10 =	vmov s19;
	s19 =	simm.s32 $0x30;
	v9 =	vld [tilespmem:s29+$0x0]  }
.LBB2_19:
0x117: {  	p0 =	sne.s32 s19, $0xF0;
	v10 =	vshll.u32 v10, $0x5  }
0x118: {  	v10 =	vor.u32 v4, v10  }
0x119: {  	v10 =	vor.u32 v7, v10;
	_ =	sdelay $0x1  }
.Ltmp10:
0x11a: {  	v8 =	vmul.f32 v9, v8;
	(pc) =	sbr.rel @p0 .LBB2_19-.Ltmp10, $4  }
0x11b: {  	s10 =	sadd.s32 $0x10, s10  }
0x11c: {  	[tilespmem:s10+$0x0] =	vst v8  }
0x11d: {  	s29 =	sadd.s32 $0x10, s29;
	v8 =	vld.idx.msk [tilespmem:v10+s18+$0x0], $0xffff  }
0x11e: {  	v10 =	vmov s19;
	s19 =	sadd.s32 $0x10, s19;
	v9 =	vld [tilespmem:s29+$0x0]  }
0x11f: {  	v10 =	vshll.u32 v10, $0x5  }
0x120: {  	v10 =	vor.u32 v4, v10  }
0x121: {  	v7 =	vor.u32 v7, v10;
	_ =	sdelay $0x1  }
0x122: {  	v8 =	vmul.f32 v9, v8  }
0x123: {  	s10 =	sadd.s32 $0x10, s10  }
0x124: {  	[tilespmem:s10+$0x0] =	vst v8  }
0x125: {  	s19 =	sadd.s32 $0x10, s29;
	v7 =	vld.idx.msk [tilespmem:v7+s18+$0x0], $0xffff  }
0x126: {  	v8 =	vld [tilespmem:s19+$0x0];
	_ =	sdelay $0x1  }
0x127: {  	s29 =	sshll.u32 s14, $0x10;
	s14 =	sadd.s32 $0x1, s14  }
0x128: {  	p0 =	sne.s32 s14, $0x20  }
.Ltmp11:
0x129: {  	_ = 	snop;
	(pc) =	sbr.rel @p0 .LBB2_18-.Ltmp11, $4  }
0x12a: {  	s19 =	sadd.s32 s7, s29;
	v7 =	vmul.f32 v8, v7  }
0x12b: {  	s10 =	sadd.s32 $0x10, s10;
	s19 =	sshrl.u32 s19, $0x3  }
0x12c: {  	s30 =	sadd.s32 $0x100, s30;
	s29 =	sadd.s32 s8, s19;
	[tilespmem:s10+$0x0] =	vst v7  }
0x12d: {  	[hbm4b:s29+s6] =	stream.linear.scatter [tilespmem:s1], [sflag:$0x2], $0x100, $0x38;
	[tilespmem:$0x19EC0] =	vst v63  }
0x12e: {  	_ =	swait.ge [sflag:s20], $0x100  }
0x12f: {  	[sflag:s20] =	ssyncset.done $0x0  }
0x130: {  	[sflag:s20] =	ssyncadd.s32 $0xFFFFFF00  }
0x131: {  	_ =	swait.ge [sflag:s20], $0x100  }
0x132: {  	[sflag:s20] =	ssyncset.done $0x0  }
0x133: {  	[sflag:s20] =	ssyncadd.s32 $0xFFFFFF00  }
0x134: {  	_ =	swait.ge [sflag:s20], $0x100  }
0x135: {  	[sflag:s20] =	ssyncset.done $0x0  }
0x136: {  	[sflag:s20] =	ssyncadd.s32 $0xFFFFFF00  }
0x137: {  	_ =	swait.ge [sflag:s20], $0x100  }
0x138: {  	[sflag:s20] =	ssyncset.done $0x0  }
0x139: {  	[sflag:s20] =	ssyncadd.s32 $0xFFFFFF00  }
0x13a: {  	_ =	swait.ge [sflag:s20], $0x100  }
0x13b: {  	[sflag:s20] =	ssyncset.done $0x0  }
0x13c: {  	[sflag:s20] =	ssyncadd.s32 $0xFFFFFF00  }
0x13d: {  	_ =	swait.ge [sflag:s20], $0x100  }
0x13e: {  	[sflag:s20] =	ssyncset.done $0x0  }
0x13f: {  	[sflag:s20] =	ssyncadd.s32 $0xFFFFFF00  }
0x140: {  	_ =	swait.ge [sflag:s20], $0x100  }
0x141: {  	[sflag:s20] =	ssyncset.done $0x0  }
0x142: {  	[sflag:s20] =	ssyncadd.s32 $0xFFFFFF00  }
0x143: {  	_ =	swait.ge [sflag:s20], $0x100  }
0x144: {  	[sflag:s20] =	ssyncset.done $0x0  }
0x145: {  	[sflag:s20] =	ssyncadd.s32 $0xFFFFFF00  }
0x146: {  	_ =	swait.ge [sflag:s20], $0x100  }
0x147: {  	[sflag:s20] =	ssyncset.done $0x0  }
0x148: {  	[sflag:s20] =	ssyncadd.s32 $0xFFFFFF00  }
0x149: {  	_ =	swait.ge [sflag:s20], $0x100  }
0x14a: {  	[sflag:s20] =	ssyncset.done $0x0  }
0x14b: {  	[sflag:s20] =	ssyncadd.s32 $0xFFFFFF00  }
0x14c: {  	_ =	swait.ge [sflag:s20], $0x100  }
0x14d: {  	[sflag:s20] =	ssyncset.done $0x0  }
0x14e: {  	[sflag:s20] =	ssyncadd.s32 $0xFFFFFF00  }
0x14f: {  	_ =	swait.ge [sflag:s20], $0x100  }
0x150: {  	[sflag:s20] =	ssyncset.done $0x0  }
0x151: {  	[sflag:s20] =	ssyncadd.s32 $0xFFFFFF00  }
0x152: {  	_ =	swait.ge [sflag:s20], $0x100  }
0x153: {  	[sflag:s20] =	ssyncset.done $0x0  }
0x154: {  	[sflag:s20] =	ssyncadd.s32 $0xFFFFFF00  }
0x155: {  	_ =	swait.ge [sflag:s20], $0x100  }
0x156: {  	[sflag:s20] =	ssyncset.done $0x0  }
0x157: {  	[sflag:s20] =	ssyncadd.s32 $0xFFFFFF00  }
0x158: {  	_ =	swait.ge [sflag:s20], $0x100  }
0x159: {  	[sflag:s20] =	ssyncset.done $0x0  }
0x15a: {  	[sflag:s20] =	ssyncadd.s32 $0xFFFFFF00  }
0x15b: {  	_ =	swait.ge [sflag:s20], $0x100  }
0x15c: {  	[sflag:s20] =	ssyncset.done $0x0  }
0x15d: {  	[sflag:s20] =	ssyncadd.s32 $0xFFFFFF00  }
0x15e: {  	_ =	swait.ge [sflag:s20], $0x100  }
0x15f: {  	[sflag:s20] =	ssyncset.done $0x0  }
0x160: {  	[sflag:s20] =	ssyncadd.s32 $0xFFFFFF00  }
0x161: {  	_ =	swait.ge [sflag:s20], $0x100  }
0x162: {  	[sflag:s20] =	ssyncset.done $0x0  }
0x163: {  	[sflag:s20] =	ssyncadd.s32 $0xFFFFFF00  }
0x164: {  	_ =	swait.ge [sflag:s20], $0x100  }
0x165: {  	[sflag:s20] =	ssyncset.done $0x0  }
0x166: {  	[sflag:s20] =	ssyncadd.s32 $0xFFFFFF00  }
0x167: {  	_ =	swait.ge [sflag:s20], $0x100  }
0x168: {  	[sflag:s20] =	ssyncset.done $0x0  }
0x169: {  	[sflag:s20] =	ssyncadd.s32 $0xFFFFFF00  }
0x16a: {  	_ =	swait.ge [sflag:s20], $0x100  }
0x16b: {  	[sflag:s20] =	ssyncset.done $0x0  }
0x16c: {  	[sflag:s20] =	ssyncadd.s32 $0xFFFFFF00  }
0x16d: {  	_ =	swait.ge [sflag:s20], $0x100  }
0x16e: {  	[sflag:s20] =	ssyncset.done $0x0  }
0x16f: {  	[sflag:s20] =	ssyncadd.s32 $0xFFFFFF00  }
0x170: {  	_ =	swait.ge [sflag:s20], $0x100  }
0x171: {  	[sflag:s20] =	ssyncset.done $0x0  }
0x172: {  	[sflag:s20] =	ssyncadd.s32 $0xFFFFFF00  }
0x173: {  	_ =	swait.ge [sflag:s20], $0x100  }
0x174: {  	[sflag:s20] =	ssyncset.done $0x0  }
0x175: {  	[sflag:s20] =	ssyncadd.s32 $0xFFFFFF00  }
0x176: {  	_ =	swait.ge [sflag:s20], $0x100  }
0x177: {  	[sflag:s20] =	ssyncset.done $0x0  }
0x178: {  	[sflag:s20] =	ssyncadd.s32 $0xFFFFFF00  }
0x179: {  	_ =	swait.ge [sflag:s20], $0x100  }
0x17a: {  	[sflag:s20] =	ssyncset.done $0x0  }
0x17b: {  	[sflag:s20] =	ssyncadd.s32 $0xFFFFFF00  }
0x17c: {  	_ =	swait.ge [sflag:s20], $0x100  }
0x17d: {  	[sflag:s20] =	ssyncset.done $0x0  }
0x17e: {  	[sflag:s20] =	ssyncadd.s32 $0xFFFFFF00  }
0x17f: {  	_ =	swait.ge [sflag:s20], $0x100  }
0x180: {  	[sflag:s20] =	ssyncset.done $0x0  }
0x181: {  	[sflag:s20] =	ssyncadd.s32 $0xFFFFFF00  }
0x182: {  	_ =	swait.ge [sflag:s20], $0x100  }
0x183: {  	[sflag:s20] =	ssyncset.done $0x0  }
0x184: {  	[sflag:s20] =	ssyncadd.s32 $0xFFFFFF00  }
0x185: {  	_ =	swait.ge [sflag:s20], $0x100  }
0x186: {  	[sflag:s20] =	ssyncset.done $0x0  }
0x187: {  	[sflag:s20] =	ssyncadd.s32 $0xFFFFFF00  }
0x188: {  	_ =	swait.ge [sflag:s20], $0x100  }
0x189: {  	[sflag:s20] =	ssyncset.done $0x0  }
0x18a: {  	[sflag:s20] =	ssyncadd.s32 $0xFFFFFF00  }
0x18b: {  	_ =	swait.ge [sflag:s20], $0x100  }
0x18c: {  	[sflag:s20] =	ssyncset.done $0x0  }
0x18d: {  	[sflag:s20] =	ssyncadd.s32 $0xFFFFFF00  }
0x18e: {  	[spmem:s11] =	stream.linear.scatter [tilespmem:s16], [sflag:$0x3], $0x1000, $0x38;
	[tilespmem:$0x19EC0] =	vst v63  }
0x18f: {  	_ =	swait.ge [sflag:s15], $0x1000  }
0x190: {  	[sflag:s15] =	ssyncset.done $0x0  }
0x191: {  	s1 =	sor.u32 $0x80, s3;
	[sflag:s15] =	ssyncadd.s32 $0xFFFFF000  }
0x192: {  	[spmem:s13] =	stream.linear.scatter [tilespmem:s17], [sflag:$0x3], $0x80, $0x38;
	[tilespmem:$0x19EC0] =	vst v63  }
0x193: {  	s3 =	sshll.u32 s1, $0x5;
	_ =	swait.ge [sflag:s15], $0x80  }
0x194: {  	s3 =	sand.u32 $0x3FFFFFE0, s3;
	[sflag:s15] =	ssyncset.done $0x0  }
0x195: {  	s3 =	sadd.s32 s3, s4;
	[sflag:s15] =	ssyncadd.s32 $0xFFFFFF80  }
0x196: {  	[spmem:s3] =	stream.linear.scatter [tilespmem:s16], [sflag:$0x3], $0x1000, $0x38;
	[tilespmem:$0x19EC0] =	vst v63  }
0x197: {  	s0 =	sadd.s32 $0x1, s0;
	_ =	swait.ge [sflag:s15], $0x1000  }
0x198: {  	p0 =	sne.s32 s0, $0x8;
	[sflag:s15] =	ssyncset.done $0x0  }
.Ltmp12:
0x199: {  	s1 =	sadd.s32 s1, s5;
	[sflag:s15] =	ssyncadd.s32 $0xFFFFF000;
	(pc) =	sbr.rel @p0 .LBB2_17-.Ltmp12, $4  }
0x19a: {  	[spmem:s1] =	stream.linear.scatter [tilespmem:s17], [sflag:$0x3], $0x80, $0x38;
	[tilespmem:$0x19EC0] =	vst v63  }
0x19b: {  	_ =	swait.ge [sflag:s15], $0x80  }
0x19c: {  	[sflag:s15] =	ssyncset.done $0x0  }
0x19d: {  	[sflag:s15] =	ssyncadd.s32 $0xFFFFFF80  }
0x19e: {  	s1 =	rddreg [dreg:$0xa]  }
0x19f: {  	s1 =	sadd.s32 $0x1, s1  }
0x1a0: {  	p0 =	sne.s32 s1, $0x8  }
.Ltmp13:
0x1a1: {  	_ = 	snop;
	(pc) =	sbr.rel @p0 .LBB2_6-.Ltmp13, $3  }
0x1a2: {  	_ =	sdelay $0x1  }
0x1a3: {  	[bflag:$0x0] =	sbarrier.arrive $0xFFFF  }
0x1a4: {  	s30 =	rddreg [dreg:$0x0]  }
0x1a5: {  	s1 =	rddreg [dreg:$0x9]  }
0x1a6: {  	s0 =	rddreg [dreg:$0x7];
	s1 =	sadd.s32 $0x1, s1  }
0x1a7: {  	p0 =	sne.s32 s1, s0  }
.Ltmp14:
0x1a8: {  	_ = 	snop;
	(pc) =	sbr.rel @p0 .LBB2_1-.Ltmp14, $1  }
0x1a9: {  	_ =	sdelay $0x3  }
0x1aa: {  	_ =	sfence.sel $0x180000  }
0x1ab: {  	[bflag:$0x0] =	sbarrier.arrive $0xFFFF  }
0x1ac: {  	_ =	strace $0x90000047  }
0x1ad: {  	s0 =	stileid.u32;
	[bflag:$0x2] =	sbarrier.arrive $0xFFFF  }
0x1ae: {  	p0 =	sne.s32 s0, $0x0;
	s0 =	rddreg [dreg:$0x5]  }
0x1af: {  	s0 =	sadd.s32 @!p0 $0x100000, s0  }
0x1b0: {  	[sflag:s0] =	ssyncadd.tile.s32 @!p0 $0x1;
	_ =	shalt  }
.Lfunc_end2:
_tile_overlayer_lowered:
.L_overlay_start_2:
0x1b1: {  	(tag) =	ssettag $0x2  }
0x1b2: {  	s0 =	rddreg [dreg:$0x0];
	s2 =	stileid.u32  }
0x1b3: {  	s1 =	rddreg [dreg:$0x1];
	p0 =	sne.s32 s2, $0x0  }
0x1b4: {  	s3 =	rddreg [dreg:$0x2];
	[bflag:$0x3] =	sbarrier.arrive $0xFFFF;
	s2 =	simm.s32 @!p0 $0x1C03  }
0x1b5: {  	[timem:s3], [sflag:s2] =	dma.local @!p0 [hbm:s0], s1  }
0x1b6: {  	s0 =	simm.s32 @!p0 $0x3  }
0x1b7: {  	_ =	swait.ge @!p0 [sflag:s0], s1  }
0x1b8: {  	s1 =	ssub.s32 @!p0 $0x0, s1;
	[sflag:s0] =	ssyncset.done @!p0 $0x0  }
0x1b9: {  	[sflag:s0] =	ssyncadd.s32 @!p0 s1  }
0x1ba: {  	[bflag:$0x3] =	sbarrier.arrive $0xFFFF  }
0x1bb: {  	_ =	shalt  }

</sc_bundles>
